<compile_context>
chip_gen: v7x
topology: tpu7x:2x2x1
jax: 0.10.2.dev20260603
libtpu: 0.0.44.dev20260713+nightly
codegen_flags: <defaults>
</compile_context>

<pallas_src>
import functools

import jax
import jax.numpy as jnp
from jax import lax
from jax.experimental import pallas as pl
from jax.experimental.pallas import tpu as pltpu
from jax.experimental.pallas import tpu_sc as plsc

NUM_CORES = 2
NUM_SUBCORES = 16
NUM_WORKERS = NUM_CORES * NUM_SUBCORES

LANES = 16
G = 128


WPAD = 128


@functools.lru_cache(maxsize=None)
def _make_kernel(B, V, D):
    assert D == 32 and B % (NUM_WORKERS * 2 * G) == 0
    b_per_w = B // NUM_WORKERS
    groups_pw = b_per_w // G
    pairs = groups_pw // 2
    tiles_f = D // 8

    mesh = plsc.VectorSubcoreMesh(core_axis_name="c", subcore_axis_name="s")

    @functools.partial(
        pl.kernel,
        mesh=mesh,
        compiler_params=pltpu.CompilerParams(use_tc_tiling_on_sc=False,
                                             needs_layout_passes=False),
        out_type=jax.ShapeDtypeStruct((tiles_f, B // G, 8, G), jnp.float32),
        scratch_types=[
            pltpu.VMEM((groups_pw, G), jnp.int32),
            pltpu.VMEM((G, WPAD), jnp.float32),
            pltpu.VMEM((G, WPAD), jnp.float32),
            pltpu.VMEM((D, G), jnp.float32),
            pltpu.VMEM((D, G), jnp.float32),
            pltpu.SemaphoreType.DMA,
            pltpu.SemaphoreType.DMA,
            pltpu.SemaphoreType.DMA,
            pltpu.SemaphoreType.DMA,
        ],
    )
    def emb(table_hbm, idx_hbm, out_hbm, idx_v, rows0, rows1, tb0, tb1,
            gsem0, gsem1, osem0, osem1):
        wid = lax.axis_index("s") * NUM_CORES + lax.axis_index("c")
        gbase = wid * groups_pw
        pltpu.sync_copy(idx_hbm.at[pl.ds(gbase, groups_pw)], idx_v)

        def gather(g, rows, gsem):
            return pltpu.make_async_copy(table_hbm.at[idx_v.at[g]], rows, gsem)

        def transpose(rows, tb):
            iot = lax.iota(jnp.int32, 16)

            def blk(bi, c):
                irow = bi * LANES + iot
                for f0 in range(0, D, LANES):
                    vals = []
                    for d in range(LANES):
                        fcol = f0 + ((iot + d) & 15)
                        vals.append(
                            (fcol, plsc.load_gather(rows, [irow, fcol])))
                    for fcol, v in vals:
                        plsc.store_scatter(tb, [fcol, irow], v)
                return c

            lax.fori_loop(0, G // LANES, blk, 0)

        def writeback(g, tb, osem):
            for tr in range(tiles_f):
                pltpu.async_copy(tb.at[pl.ds(tr * 8, 8)],
                                 out_hbm.at[tr, gbase + g], osem)

        def drain_out(tb, osem):
            for tr in range(tiles_f):
                pltpu.make_async_copy(tb.at[pl.ds(tr * 8, 8)],
                                      out_hbm.at[tr, 0], osem).wait()

        gather(0, rows0, gsem0).start()

        def pair_body(p, carry):
            g0 = 2 * p
            gather(g0 + 1, rows1, gsem1).start()
            gather(g0, rows0, gsem0).wait()

            @pl.when(p > 0)
            def _():
                drain_out(tb0, osem0)

            transpose(rows0, tb0)
            writeback(g0, tb0, osem0)

            @pl.when(p < pairs - 1)
            def _():
                gather(g0 + 2, rows0, gsem0).start()

            gather(g0 + 1, rows1, gsem1).wait()

            @pl.when(p > 0)
            def _():
                drain_out(tb1, osem1)

            transpose(rows1, tb1)
            writeback(g0 + 1, tb1, osem1)
            return carry

        lax.fori_loop(0, pairs, pair_body, 0)
        drain_out(tb0, osem0)
        drain_out(tb1, osem1)

    return emb


def kernel(x, weight):
    B = x.size
    V, D = weight.shape
    idx = x.reshape(B // G, G).astype(jnp.int32)
    wpad = jnp.pad(weight, ((0, 0), (0, WPAD - D)))
    emb = _make_kernel(B, V, D)
    out4 = emb(wpad, idx)
    out_t = out4.transpose(0, 2, 1, 3).reshape(D, B)
    return out_t.T.reshape(B, 1, D)

# --- scband reference (transcript-rebuilt; emitter-appended) ---
"""Pipeline reference for scband-action-embedding-88691074662649 (READ-ONLY COPY).

The authoritative reference and input builder live on the scoring server;
editing this copy changes nothing except your own understanding.
"""

import jax, jax.numpy as jnp
import numpy as np

ACTION_SPACE = 1000000
LAYER_SIZE = 32

def setup_inputs(seed: int = 0) -> dict:
    key = jax.random.key(seed)
    k1, k2 = jax.random.split(key)
    x = jax.random.randint(k1, (16384, 50), 0, ACTION_SPACE, dtype=jnp.int64 if jax.config.jax_enable_x64 else jnp.int32)
    weight = jax.random.normal(k2, (ACTION_SPACE, LAYER_SIZE), dtype=jnp.float32)
    return {"x": x, "weight": weight}

def reference(x, weight):
    # Faithful translation of ActionEmbedding.forward:
    #   x = x.reshape(-1, 1); return self.action_embedding(x)
    idx = x.reshape(-1, 1)
    out = jnp.take(weight, idx, axis=0)  # shape (N, 1, LAYER_SIZE)
    return out

if __name__ == "__main__":
    import jax
    _d = setup_inputs()
    print(jax.jit(kernel)(*tuple(_d.values())))

</pallas_src>

<mosaic_0001>
#map = affine_map<(d0, d1) -> (0, 0)>
#map1 = affine_map<(d0, d1) -> (0, 0, 0, 0)>
module attributes {stable_mosaic.version = 14 : i64} {
  func.func @emb(%arg0: i32, %arg1: i32, %arg2: memref<1000000x128xf32, #tpu.memory_space<hbm>>, %arg3: memref<6400x128xi32, #tpu.memory_space<hbm>>, %arg4: memref<4x6400x8x128xf32, #tpu.memory_space<hbm>>, %arg5: memref<200x128xi32, #tpu.memory_space<vmem>>, %arg6: memref<128x128xf32, #tpu.memory_space<vmem>>, %arg7: memref<128x128xf32, #tpu.memory_space<vmem>>, %arg8: memref<32x128xf32, #tpu.memory_space<vmem>>, %arg9: memref<32x128xf32, #tpu.memory_space<vmem>>, %arg10: memref<!tpu.dma_semaphore, #tpu.memory_space<semaphore_mem>>, %arg11: memref<!tpu.dma_semaphore, #tpu.memory_space<semaphore_mem>>, %arg12: memref<!tpu.dma_semaphore, #tpu.memory_space<semaphore_mem>>, %arg13: memref<!tpu.dma_semaphore, #tpu.memory_space<semaphore_mem>>) attributes {dimension_semantics = [#tpu.dimension_semantics<core_parallel>, #tpu.dimension_semantics<subcore_parallel>], iteration_bounds = array<i64: 2, 16>, scalar_prefetch = 0 : i64, scratch_operands = 9 : i64, tpu.core_type = #tpu.core_type<sc_vector_subcore>, window_params = [{transform_indices = #map}, {transform_indices = #map}, {transform_indices = #map1}]} {
    %mul3A = arith.constant 2 : i32
    %mul3A_0 = arith.muli %arg1, %mul3A : i32
    %add3A = arith.addi %mul3A_0, %arg0 : i32
    %mul3A_1 = arith.constant 200 : i32
    %mul3A_2 = arith.muli %add3A, %mul3A_1 : i32
    "tpu.region"() ({
      %run_scoped3A = tpu.sem_alloc : memref<!tpu.dma_semaphore, #tpu.memory_space<semaphore_mem>>
      %dma_start3A_141 = arith.constant 0 : i32
      %dma_start3A_142 = tpu.memref_slice %arg3[%mul3A_2, %dma_start3A_141] : memref<6400x128xi32, #tpu.memory_space<hbm>> -> memref<200x128xi32, #tpu.memory_space<hbm>>
      %dma_start3A_143 = arith.constant 0 : i32
      %dma_start3A_144 = tpu.memref_slice %arg3[%mul3A_2, %dma_start3A_143] : memref<6400x128xi32, #tpu.memory_space<hbm>> -> memref<200x128xi32, #tpu.memory_space<hbm>>
      tpu.enqueue_dma source(%dma_start3A_144 : memref<200x128xi32, #tpu.memory_space<hbm>>) target(%arg5 : memref<200x128xi32, #tpu.memory_space<vmem>>) target_semaphore(%run_scoped3A : memref<!tpu.dma_semaphore, #tpu.memory_space<semaphore_mem>>)
      %dma_wait3A_145 = arith.constant 0 : i32
      %dma_wait3A_146 = tpu.memref_slice %arg3[%mul3A_2, %dma_wait3A_145] : memref<6400x128xi32, #tpu.memory_space<hbm>> -> memref<200x128xi32, #tpu.memory_space<hbm>>
      %dma_wait3A_147 = arith.constant 0 : i32
      %dma_wait3A_148 = tpu.memref_slice %arg3[%mul3A_2, %dma_wait3A_147] : memref<6400x128xi32, #tpu.memory_space<hbm>> -> memref<200x128xi32, #tpu.memory_space<hbm>>
      tpu.wait_dma2 semaphore(%run_scoped3A : memref<!tpu.dma_semaphore, #tpu.memory_space<semaphore_mem>>) src(%dma_wait3A_148 : memref<200x128xi32, #tpu.memory_space<hbm>>) dst(%arg5 : memref<200x128xi32, #tpu.memory_space<vmem>>)
      tpu.yield
    }) : () -> ()
    %dma_start3A = arith.constant 0 : i32
    %dma_start3A_3 = arith.constant 0 : i32
    %dma_start3A_4 = tpu.memref_slice %arg5[%dma_start3A, %dma_start3A_3] : memref<200x128xi32, #tpu.memory_space<vmem>> -> memref<1x128xi32, #tpu.memory_space<vmem>>
    %dma_start3A_5 = tpu.memref_squeeze %dma_start3A_4 : memref<1x128xi32, #tpu.memory_space<vmem>> -> memref<128xi32, #tpu.memory_space<vmem>>
    %dma_start3A_6 = arith.constant 0 : i32
    %dma_start3A_7 = arith.constant 0 : i32
    %dma_start3A_8 = tpu.memref_slice %arg2[%dma_start3A_6, %dma_start3A_7] : memref<1000000x128xf32, #tpu.memory_space<hbm>> -> memref<1000000x128xf32, #tpu.memory_space<hbm>>
    tpu.enqueue_indirect_dma source(%dma_start3A_8 : memref<1000000x128xf32, #tpu.memory_space<hbm>>) target(%arg6 : memref<128x128xf32, #tpu.memory_space<vmem>>) offsets(%dma_start3A_5 : memref<128xi32, #tpu.memory_space<vmem>>) semaphore(%arg10 : memref<!tpu.dma_semaphore, #tpu.memory_space<semaphore_mem>>)
    %scan3A = arith.constant 0 : i32
    %scan3A_9 = arith.constant 0 : i32
    %scan3A_10 = arith.constant 100 : i32
    %scan3A_11 = arith.addi %scan3A_9, %scan3A_10 : i32
    %scan3A_12 = arith.constant 1 : i32
    scf.for %scan3A_141 = %scan3A_9 to %scan3A_11 step %scan3A_12  : i32 {
      %mul3A_142 = arith.constant 2 : i32
      %mul3A_143 = arith.muli %mul3A_142, %scan3A_141 : i32
      %add3A_144 = arith.constant 1 : i32
      %add3A_145 = arith.addi %mul3A_143, %add3A_144 : i32
      %dma_start3A_146 = arith.constant 0 : i32
      %dma_start3A_147 = tpu.memref_slice %arg5[%add3A_145, %dma_start3A_146] : memref<200x128xi32, #tpu.memory_space<vmem>> -> memref<1x128xi32, #tpu.memory_space<vmem>>
      %dma_start3A_148 = tpu.memref_squeeze %dma_start3A_147 : memref<1x128xi32, #tpu.memory_space<vmem>> -> memref<128xi32, #tpu.memory_space<vmem>>
      %dma_start3A_149 = arith.constant 0 : i32
      %dma_start3A_150 = arith.constant 0 : i32
      %dma_start3A_151 = tpu.memref_slice %arg2[%dma_start3A_149, %dma_start3A_150] : memref<1000000x128xf32, #tpu.memory_space<hbm>> -> memref<1000000x128xf32, #tpu.memory_space<hbm>>
      tpu.enqueue_indirect_dma source(%dma_start3A_151 : memref<1000000x128xf32, #tpu.memory_space<hbm>>) target(%arg7 : memref<128x128xf32, #tpu.memory_space<vmem>>) offsets(%dma_start3A_148 : memref<128xi32, #tpu.memory_space<vmem>>) semaphore(%arg11 : memref<!tpu.dma_semaphore, #tpu.memory_space<semaphore_mem>>)
      %dma_wait3A_152 = arith.constant 0 : i32
      %dma_wait3A_153 = tpu.memref_slice %arg5[%mul3A_143, %dma_wait3A_152] : memref<200x128xi32, #tpu.memory_space<vmem>> -> memref<1x128xi32, #tpu.memory_space<vmem>>
      %dma_wait3A_154 = tpu.memref_squeeze %dma_wait3A_153 : memref<1x128xi32, #tpu.memory_space<vmem>> -> memref<128xi32, #tpu.memory_space<vmem>>
      %dma_wait3A_155 = arith.constant 0 : i32
      %dma_wait3A_156 = arith.constant 0 : i32
      %dma_wait3A_157 = tpu.memref_slice %arg2[%dma_wait3A_155, %dma_wait3A_156] : memref<1000000x128xf32, #tpu.memory_space<hbm>> -> memref<1000000x128xf32, #tpu.memory_space<hbm>>
      tpu.wait_indirect_dma semaphore(%arg10 : memref<!tpu.dma_semaphore, #tpu.memory_space<semaphore_mem>>) src(%dma_wait3A_157 : memref<1000000x128xf32, #tpu.memory_space<hbm>>) dst(%arg6 : memref<128x128xf32, #tpu.memory_space<vmem>>)
      %gt3A = arith.constant 0 : i32
      %gt3A_158 = arith.cmpi sgt, %scan3A_141, %gt3A : i32
      %convert_element_type3A = arith.extui %gt3A_158 : i1 to i32
      %cond3A = arith.constant 0 : i32
      %cond3A_159 = arith.cmpi ne, %convert_element_type3A, %cond3A : i32
      scf.if %cond3A_159 {
        %dma_wait3A_320 = arith.constant 0 : i32
        %dma_wait3A_321 = arith.constant 0 : i32
        %dma_wait3A_322 = arith.constant 0 : i32
        %dma_wait3A_323 = arith.constant 0 : i32
        %dma_wait3A_324 = tpu.memref_slice %arg8[%dma_wait3A_322, %dma_wait3A_323] : memref<32x128xf32, #tpu.memory_space<vmem>> -> memref<8x128xf32, #tpu.memory_space<vmem>>
        %dma_wait3A_325 = arith.constant 0 : i32
        %dma_wait3A_326 = arith.constant 0 : i32
        %dma_wait3A_327 = tpu.memref_slice %arg4[%dma_wait3A_320, %dma_wait3A_321, %dma_wait3A_325, %dma_wait3A_326] : memref<4x6400x8x128xf32, #tpu.memory_space<hbm>> -> memref<1x1x8x128xf32, #tpu.memory_space<hbm>>
        %dma_wait3A_328 = tpu.memref_squeeze %dma_wait3A_327 : memref<1x1x8x128xf32, #tpu.memory_space<hbm>> -> memref<8x128xf32, #tpu.memory_space<hbm>>
        %dma_wait3A_329 = arith.constant 0 : i32
        %dma_wait3A_330 = arith.constant 0 : i32
        %dma_wait3A_331 = tpu.memref_slice %arg4[%dma_wait3A_320, %dma_wait3A_321, %dma_wait3A_329, %dma_wait3A_330] : memref<4x6400x8x128xf32, #tpu.memory_space<hbm>> -> memref<1x1x8x128xf32, #tpu.memory_space<hbm>>
        %dma_wait3A_332 = tpu.memref_squeeze %dma_wait3A_331 : memref<1x1x8x128xf32, #tpu.memory_space<hbm>> -> memref<8x128xf32, #tpu.memory_space<hbm>>
        %dma_wait3A_333 = arith.constant 0 : i32
        %dma_wait3A_334 = arith.constant 0 : i32
        %dma_wait3A_335 = tpu.memref_slice %arg8[%dma_wait3A_333, %dma_wait3A_334] : memref<32x128xf32, #tpu.memory_space<vmem>> -> memref<8x128xf32, #tpu.memory_space<vmem>>
        tpu.wait_dma2 semaphore(%arg12 : memref<!tpu.dma_semaphore, #tpu.memory_space<semaphore_mem>>) src(%dma_wait3A_335 : memref<8x128xf32, #tpu.memory_space<vmem>>) dst(%dma_wait3A_332 : memref<8x128xf32, #tpu.memory_space<hbm>>)
        %dma_wait3A_336 = arith.constant 1 : i32
        %dma_wait3A_337 = arith.constant 0 : i32
        %dma_wait3A_338 = arith.constant 8 : i32
        %dma_wait3A_339 = arith.constant 0 : i32
        %dma_wait3A_340 = tpu.memref_slice %arg8[%dma_wait3A_338, %dma_wait3A_339] : memref<32x128xf32, #tpu.memory_space<vmem>> -> memref<8x128xf32, #tpu.memory_space<vmem>>
        %dma_wait3A_341 = arith.constant 0 : i32
        %dma_wait3A_342 = arith.constant 0 : i32
        %dma_wait3A_343 = tpu.memref_slice %arg4[%dma_wait3A_336, %dma_wait3A_337, %dma_wait3A_341, %dma_wait3A_342] : memref<4x6400x8x128xf32, #tpu.memory_space<hbm>> -> memref<1x1x8x128xf32, #tpu.memory_space<hbm>>
        %dma_wait3A_344 = tpu.memref_squeeze %dma_wait3A_343 : memref<1x1x8x128xf32, #tpu.memory_space<hbm>> -> memref<8x128xf32, #tpu.memory_space<hbm>>
        %dma_wait3A_345 = arith.constant 0 : i32
        %dma_wait3A_346 = arith.constant 0 : i32
        %dma_wait3A_347 = tpu.memref_slice %arg4[%dma_wait3A_336, %dma_wait3A_337, %dma_wait3A_345, %dma_wait3A_346] : memref<4x6400x8x128xf32, #tpu.memory_space<hbm>> -> memref<1x1x8x128xf32, #tpu.memory_space<hbm>>
        %dma_wait3A_348 = tpu.memref_squeeze %dma_wait3A_347 : memref<1x1x8x128xf32, #tpu.memory_space<hbm>> -> memref<8x128xf32, #tpu.memory_space<hbm>>
        %dma_wait3A_349 = arith.constant 8 : i32
        %dma_wait3A_350 = arith.constant 0 : i32
        %dma_wait3A_351 = tpu.memref_slice %arg8[%dma_wait3A_349, %dma_wait3A_350] : memref<32x128xf32, #tpu.memory_space<vmem>> -> memref<8x128xf32, #tpu.memory_space<vmem>>
        tpu.wait_dma2 semaphore(%arg12 : memref<!tpu.dma_semaphore, #tpu.memory_space<semaphore_mem>>) src(%dma_wait3A_351 : memref<8x128xf32, #tpu.memory_space<vmem>>) dst(%dma_wait3A_348 : memref<8x128xf32, #tpu.memory_space<hbm>>)
        %dma_wait3A_352 = arith.constant 2 : i32
        %dma_wait3A_353 = arith.constant 0 : i32
        %dma_wait3A_354 = arith.constant 16 : i32
        %dma_wait3A_355 = arith.constant 0 : i32
        %dma_wait3A_356 = tpu.memref_slice %arg8[%dma_wait3A_354, %dma_wait3A_355] : memref<32x128xf32, #tpu.memory_space<vmem>> -> memref<8x128xf32, #tpu.memory_space<vmem>>
        %dma_wait3A_357 = arith.constant 0 : i32
        %dma_wait3A_358 = arith.constant 0 : i32
        %dma_wait3A_359 = tpu.memref_slice %arg4[%dma_wait3A_352, %dma_wait3A_353, %dma_wait3A_357, %dma_wait3A_358] : memref<4x6400x8x128xf32, #tpu.memory_space<hbm>> -> memref<1x1x8x128xf32, #tpu.memory_space<hbm>>
        %dma_wait3A_360 = tpu.memref_squeeze %dma_wait3A_359 : memref<1x1x8x128xf32, #tpu.memory_space<hbm>> -> memref<8x128xf32, #tpu.memory_space<hbm>>
        %dma_wait3A_361 = arith.constant 0 : i32
        %dma_wait3A_362 = arith.constant 0 : i32
        %dma_wait3A_363 = tpu.memref_slice %arg4[%dma_wait3A_352, %dma_wait3A_353, %dma_wait3A_361, %dma_wait3A_362] : memref<4x6400x8x128xf32, #tpu.memory_space<hbm>> -> memref<1x1x8x128xf32, #tpu.memory_space<hbm>>
        %dma_wait3A_364 = tpu.memref_squeeze %dma_wait3A_363 : memref<1x1x8x128xf32, #tpu.memory_space<hbm>> -> memref<8x128xf32, #tpu.memory_space<hbm>>
        %dma_wait3A_365 = arith.constant 16 : i32
        %dma_wait3A_366 = arith.constant 0 : i32
        %dma_wait3A_367 = tpu.memref_slice %arg8[%dma_wait3A_365, %dma_wait3A_366] : memref<32x128xf32, #tpu.memory_space<vmem>> -> memref<8x128xf32, #tpu.memory_space<vmem>>
        tpu.wait_dma2 semaphore(%arg12 : memref<!tpu.dma_semaphore, #tpu.memory_space<semaphore_mem>>) src(%dma_wait3A_367 : memref<8x128xf32, #tpu.memory_space<vmem>>) dst(%dma_wait3A_364 : memref<8x128xf32, #tpu.memory_space<hbm>>)
        %dma_wait3A_368 = arith.constant 3 : i32
        %dma_wait3A_369 = arith.constant 0 : i32
        %dma_wait3A_370 = arith.constant 24 : i32
        %dma_wait3A_371 = arith.constant 0 : i32
        %dma_wait3A_372 = tpu.memref_slice %arg8[%dma_wait3A_370, %dma_wait3A_371] : memref<32x128xf32, #tpu.memory_space<vmem>> -> memref<8x128xf32, #tpu.memory_space<vmem>>
        %dma_wait3A_373 = arith.constant 0 : i32
        %dma_wait3A_374 = arith.constant 0 : i32
        %dma_wait3A_375 = tpu.memref_slice %arg4[%dma_wait3A_368, %dma_wait3A_369, %dma_wait3A_373, %dma_wait3A_374] : memref<4x6400x8x128xf32, #tpu.memory_space<hbm>> -> memref<1x1x8x128xf32, #tpu.memory_space<hbm>>
        %dma_wait3A_376 = tpu.memref_squeeze %dma_wait3A_375 : memref<1x1x8x128xf32, #tpu.memory_space<hbm>> -> memref<8x128xf32, #tpu.memory_space<hbm>>
        %dma_wait3A_377 = arith.constant 0 : i32
        %dma_wait3A_378 = arith.constant 0 : i32
        %dma_wait3A_379 = tpu.memref_slice %arg4[%dma_wait3A_368, %dma_wait3A_369, %dma_wait3A_377, %dma_wait3A_378] : memref<4x6400x8x128xf32, #tpu.memory_space<hbm>> -> memref<1x1x8x128xf32, #tpu.memory_space<hbm>>
        %dma_wait3A_380 = tpu.memref_squeeze %dma_wait3A_379 : memref<1x1x8x128xf32, #tpu.memory_space<hbm>> -> memref<8x128xf32, #tpu.memory_space<hbm>>
        %dma_wait3A_381 = arith.constant 24 : i32
        %dma_wait3A_382 = arith.constant 0 : i32
        %dma_wait3A_383 = tpu.memref_slice %arg8[%dma_wait3A_381, %dma_wait3A_382] : memref<32x128xf32, #tpu.memory_space<vmem>> -> memref<8x128xf32, #tpu.memory_space<vmem>>
        tpu.wait_dma2 semaphore(%arg12 : memref<!tpu.dma_semaphore, #tpu.memory_space<semaphore_mem>>) src(%dma_wait3A_383 : memref<8x128xf32, #tpu.memory_space<vmem>>) dst(%dma_wait3A_380 : memref<8x128xf32, #tpu.memory_space<hbm>>)
      } else {
      }
      %iota3A = tpu.iota {dimensions = array<i32: 0>} : vector<16xi32>
      %scan3A_160 = arith.constant 0 : i32
      %scan3A_161 = arith.constant 0 : i32
      %scan3A_162 = arith.constant 8 : i32
      %scan3A_163 = arith.addi %scan3A_161, %scan3A_162 : i32
      %scan3A_164 = arith.constant 1 : i32
      scf.for %scan3A_320 = %scan3A_161 to %scan3A_163 step %scan3A_164  : i32 {
        %mul3A_321 = arith.constant 16 : i32
        %mul3A_322 = arith.muli %scan3A_320, %mul3A_321 : i32
        %add3A_323 = vector.broadcast %mul3A_322 : i32 to vector<16xi32>
        %add3A_324 = arith.addi %add3A_323, %iota3A : vector<16xi32>
        %add3A_325 = arith.constant 0 : i32
        %add3A_326 = vector.broadcast %add3A_325 : i32 to vector<16xi32>
        %add3A_327 = arith.addi %iota3A, %add3A_326 : vector<16xi32>
        %and3A = arith.constant 15 : i32
        %and3A_328 = vector.broadcast %and3A : i32 to vector<16xi32>
        %and3A_329 = arith.andi %add3A_327, %and3A_328 : vector<16xi32>
        %add3A_330 = arith.constant 0 : i32
        %add3A_331 = vector.broadcast %add3A_330 : i32 to vector<16xi32>
        %add3A_332 = arith.addi %add3A_331, %and3A_329 : vector<16xi32>
        %gather3A = tpu.vector_load_idx %arg6[%add3A_324, %add3A_332] : memref<128x128xf32, #tpu.memory_space<vmem>>[vector<16xi32>, vector<16xi32>], vector<16xf32>,
        %add3A_333 = arith.constant 1 : i32
        %add3A_334 = vector.broadcast %add3A_333 : i32 to vector<16xi32>
        %add3A_335 = arith.addi %iota3A, %add3A_334 : vector<16xi32>
        %and3A_336 = arith.constant 15 : i32
        %and3A_337 = vector.broadcast %and3A_336 : i32 to vector<16xi32>
        %and3A_338 = arith.andi %add3A_335, %and3A_337 : vector<16xi32>
        %add3A_339 = arith.constant 0 : i32
        %add3A_340 = vector.broadcast %add3A_339 : i32 to vector<16xi32>
        %add3A_341 = arith.addi %add3A_340, %and3A_338 : vector<16xi32>
        %gather3A_342 = tpu.vector_load_idx %arg6[%add3A_324, %add3A_341] : memref<128x128xf32, #tpu.memory_space<vmem>>[vector<16xi32>, vector<16xi32>], vector<16xf32>,
        %add3A_343 = arith.constant 2 : i32
        %add3A_344 = vector.broadcast %add3A_343 : i32 to vector<16xi32>
        %add3A_345 = arith.addi %iota3A, %add3A_344 : vector<16xi32>
        %and3A_346 = arith.constant 15 : i32
        %and3A_347 = vector.broadcast %and3A_346 : i32 to vector<16xi32>
        %and3A_348 = arith.andi %add3A_345, %and3A_347 : vector<16xi32>
        %add3A_349 = arith.constant 0 : i32
        %add3A_350 = vector.broadcast %add3A_349 : i32 to vector<16xi32>
        %add3A_351 = arith.addi %add3A_350, %and3A_348 : vector<16xi32>
        %gather3A_352 = tpu.vector_load_idx %arg6[%add3A_324, %add3A_351] : memref<128x128xf32, #tpu.memory_space<vmem>>[vector<16xi32>, vector<16xi32>], vector<16xf32>,
        %add3A_353 = arith.constant 3 : i32
        %add3A_354 = vector.broadcast %add3A_353 : i32 to vector<16xi32>
        %add3A_355 = arith.addi %iota3A, %add3A_354 : vector<16xi32>
        %and3A_356 = arith.constant 15 : i32
        %and3A_357 = vector.broadcast %and3A_356 : i32 to vector<16xi32>
        %and3A_358 = arith.andi %add3A_355, %and3A_357 : vector<16xi32>
        %add3A_359 = arith.constant 0 : i32
        %add3A_360 = vector.broadcast %add3A_359 : i32 to vector<16xi32>
        %add3A_361 = arith.addi %add3A_360, %and3A_358 : vector<16xi32>
        %gather3A_362 = tpu.vector_load_idx %arg6[%add3A_324, %add3A_361] : memref<128x128xf32, #tpu.memory_space<vmem>>[vector<16xi32>, vector<16xi32>], vector<16xf32>,
        %add3A_363 = arith.constant 4 : i32
        %add3A_364 = vector.broadcast %add3A_363 : i32 to vector<16xi32>
        %add3A_365 = arith.addi %iota3A, %add3A_364 : vector<16xi32>
        %and3A_366 = arith.constant 15 : i32
        %and3A_367 = vector.broadcast %and3A_366 : i32 to vector<16xi32>
        %and3A_368 = arith.andi %add3A_365, %and3A_367 : vector<16xi32>
        %add3A_369 = arith.constant 0 : i32
        %add3A_370 = vector.broadcast %add3A_369 : i32 to vector<16xi32>
        %add3A_371 = arith.addi %add3A_370, %and3A_368 : vector<16xi32>
        %gather3A_372 = tpu.vector_load_idx %arg6[%add3A_324, %add3A_371] : memref<128x128xf32, #tpu.memory_space<vmem>>[vector<16xi32>, vector<16xi32>], vector<16xf32>,
        %add3A_373 = arith.constant 5 : i32
        %add3A_374 = vector.broadcast %add3A_373 : i32 to vector<16xi32>
        %add3A_375 = arith.addi %iota3A, %add3A_374 : vector<16xi32>
        %and3A_376 = arith.constant 15 : i32
        %and3A_377 = vector.broadcast %and3A_376 : i32 to vector<16xi32>
        %and3A_378 = arith.andi %add3A_375, %and3A_377 : vector<16xi32>
        %add3A_379 = arith.constant 0 : i32
        %add3A_380 = vector.broadcast %add3A_379 : i32 to vector<16xi32>
        %add3A_381 = arith.addi %add3A_380, %and3A_378 : vector<16xi32>
        %gather3A_382 = tpu.vector_load_idx %arg6[%add3A_324, %add3A_381] : memref<128x128xf32, #tpu.memory_space<vmem>>[vector<16xi32>, vector<16xi32>], vector<16xf32>,
        %add3A_383 = arith.constant 6 : i32
        %add3A_384 = vector.broadcast %add3A_383 : i32 to vector<16xi32>
        %add3A_385 = arith.addi %iota3A, %add3A_384 : vector<16xi32>
        %and3A_386 = arith.constant 15 : i32
        %and3A_387 = vector.broadcast %and3A_386 : i32 to vector<16xi32>
        %and3A_388 = arith.andi %add3A_385, %and3A_387 : vector<16xi32>
        %add3A_389 = arith.constant 0 : i32
        %add3A_390 = vector.broadcast %add3A_389 : i32 to vector<16xi32>
        %add3A_391 = arith.addi %add3A_390, %and3A_388 : vector<16xi32>
        %gather3A_392 = tpu.vector_load_idx %arg6[%add3A_324, %add3A_391] : memref<128x128xf32, #tpu.memory_space<vmem>>[vector<16xi32>, vector<16xi32>], vector<16xf32>,
        %add3A_393 = arith.constant 7 : i32
        %add3A_394 = vector.broadcast %add3A_393 : i32 to vector<16xi32>
        %add3A_395 = arith.addi %iota3A, %add3A_394 : vector<16xi32>
        %and3A_396 = arith.constant 15 : i32
        %and3A_397 = vector.broadcast %and3A_396 : i32 to vector<16xi32>
        %and3A_398 = arith.andi %add3A_395, %and3A_397 : vector<16xi32>
        %add3A_399 = arith.constant 0 : i32
        %add3A_400 = vector.broadcast %add3A_399 : i32 to vector<16xi32>
        %add3A_401 = arith.addi %add3A_400, %and3A_398 : vector<16xi32>
        %gather3A_402 = tpu.vector_load_idx %arg6[%add3A_324, %add3A_401] : memref<128x128xf32, #tpu.memory_space<vmem>>[vector<16xi32>, vector<16xi32>], vector<16xf32>,
        %add3A_403 = arith.constant 8 : i32
        %add3A_404 = vector.broadcast %add3A_403 : i32 to vector<16xi32>
        %add3A_405 = arith.addi %iota3A, %add3A_404 : vector<16xi32>
        %and3A_406 = arith.constant 15 : i32
        %and3A_407 = vector.broadcast %and3A_406 : i32 to vector<16xi32>
        %and3A_408 = arith.andi %add3A_405, %and3A_407 : vector<16xi32>
        %add3A_409 = arith.constant 0 : i32
        %add3A_410 = vector.broadcast %add3A_409 : i32 to vector<16xi32>
        %add3A_411 = arith.addi %add3A_410, %and3A_408 : vector<16xi32>
        %gather3A_412 = tpu.vector_load_idx %arg6[%add3A_324, %add3A_411] : memref<128x128xf32, #tpu.memory_space<vmem>>[vector<16xi32>, vector<16xi32>], vector<16xf32>,
        %add3A_413 = arith.constant 9 : i32
        %add3A_414 = vector.broadcast %add3A_413 : i32 to vector<16xi32>
        %add3A_415 = arith.addi %iota3A, %add3A_414 : vector<16xi32>
        %and3A_416 = arith.constant 15 : i32
        %and3A_417 = vector.broadcast %and3A_416 : i32 to vector<16xi32>
        %and3A_418 = arith.andi %add3A_415, %and3A_417 : vector<16xi32>
        %add3A_419 = arith.constant 0 : i32
        %add3A_420 = vector.broadcast %add3A_419 : i32 to vector<16xi32>
        %add3A_421 = arith.addi %add3A_420, %and3A_418 : vector<16xi32>
        %gather3A_422 = tpu.vector_load_idx %arg6[%add3A_324, %add3A_421] : memref<128x128xf32, #tpu.memory_space<vmem>>[vector<16xi32>, vector<16xi32>], vector<16xf32>,
        %add3A_423 = arith.constant 10 : i32
        %add3A_424 = vector.broadcast %add3A_423 : i32 to vector<16xi32>
        %add3A_425 = arith.addi %iota3A, %add3A_424 : vector<16xi32>
        %and3A_426 = arith.constant 15 : i32
        %and3A_427 = vector.broadcast %and3A_426 : i32 to vector<16xi32>
        %and3A_428 = arith.andi %add3A_425, %and3A_427 : vector<16xi32>
        %add3A_429 = arith.constant 0 : i32
        %add3A_430 = vector.broadcast %add3A_429 : i32 to vector<16xi32>
        %add3A_431 = arith.addi %add3A_430, %and3A_428 : vector<16xi32>
        %gather3A_432 = tpu.vector_load_idx %arg6[%add3A_324, %add3A_431] : memref<128x128xf32, #tpu.memory_space<vmem>>[vector<16xi32>, vector<16xi32>], vector<16xf32>,
        %add3A_433 = arith.constant 11 : i32
        %add3A_434 = vector.broadcast %add3A_433 : i32 to vector<16xi32>
        %add3A_435 = arith.addi %iota3A, %add3A_434 : vector<16xi32>
        %and3A_436 = arith.constant 15 : i32
        %and3A_437 = vector.broadcast %and3A_436 : i32 to vector<16xi32>
        %and3A_438 = arith.andi %add3A_435, %and3A_437 : vector<16xi32>
        %add3A_439 = arith.constant 0 : i32
        %add3A_440 = vector.broadcast %add3A_439 : i32 to vector<16xi32>
        %add3A_441 = arith.addi %add3A_440, %and3A_438 : vector<16xi32>
        %gather3A_442 = tpu.vector_load_idx %arg6[%add3A_324, %add3A_441] : memref<128x128xf32, #tpu.memory_space<vmem>>[vector<16xi32>, vector<16xi32>], vector<16xf32>,
        %add3A_443 = arith.constant 12 : i32
        %add3A_444 = vector.broadcast %add3A_443 : i32 to vector<16xi32>
        %add3A_445 = arith.addi %iota3A, %add3A_444 : vector<16xi32>
        %and3A_446 = arith.constant 15 : i32
        %and3A_447 = vector.broadcast %and3A_446 : i32 to vector<16xi32>
        %and3A_448 = arith.andi %add3A_445, %and3A_447 : vector<16xi32>
        %add3A_449 = arith.constant 0 : i32
        %add3A_450 = vector.broadcast %add3A_449 : i32 to vector<16xi32>
        %add3A_451 = arith.addi %add3A_450, %and3A_448 : vector<16xi32>
        %gather3A_452 = tpu.vector_load_idx %arg6[%add3A_324, %add3A_451] : memref<128x128xf32, #tpu.memory_space<vmem>>[vector<16xi32>, vector<16xi32>], vector<16xf32>,
        %add3A_453 = arith.constant 13 : i32
        %add3A_454 = vector.broadcast %add3A_453 : i32 to vector<16xi32>
        %add3A_455 = arith.addi %iota3A, %add3A_454 : vector<16xi32>
        %and3A_456 = arith.constant 15 : i32
        %and3A_457 = vector.broadcast %and3A_456 : i32 to vector<16xi32>
        %and3A_458 = arith.andi %add3A_455, %and3A_457 : vector<16xi32>
        %add3A_459 = arith.constant 0 : i32
        %add3A_460 = vector.broadcast %add3A_459 : i32 to vector<16xi32>
        %add3A_461 = arith.addi %add3A_460, %and3A_458 : vector<16xi32>
        %gather3A_462 = tpu.vector_load_idx %arg6[%add3A_324, %add3A_461] : memref<128x128xf32, #tpu.memory_space<vmem>>[vector<16xi32>, vector<16xi32>], vector<16xf32>,
        %add3A_463 = arith.constant 14 : i32
        %add3A_464 = vector.broadcast %add3A_463 : i32 to vector<16xi32>
        %add3A_465 = arith.addi %iota3A, %add3A_464 : vector<16xi32>
        %and3A_466 = arith.constant 15 : i32
        %and3A_467 = vector.broadcast %and3A_466 : i32 to vector<16xi32>
        %and3A_468 = arith.andi %add3A_465, %and3A_467 : vector<16xi32>
        %add3A_469 = arith.constant 0 : i32
        %add3A_470 = vector.broadcast %add3A_469 : i32 to vector<16xi32>
        %add3A_471 = arith.addi %add3A_470, %and3A_468 : vector<16xi32>
        %gather3A_472 = tpu.vector_load_idx %arg6[%add3A_324, %add3A_471] : memref<128x128xf32, #tpu.memory_space<vmem>>[vector<16xi32>, vector<16xi32>], vector<16xf32>,
        %add3A_473 = arith.constant 15 : i32
        %add3A_474 = vector.broadcast %add3A_473 : i32 to vector<16xi32>
        %add3A_475 = arith.addi %iota3A, %add3A_474 : vector<16xi32>
        %and3A_476 = arith.constant 15 : i32
        %and3A_477 = vector.broadcast %and3A_476 : i32 to vector<16xi32>
        %and3A_478 = arith.andi %add3A_475, %and3A_477 : vector<16xi32>
        %add3A_479 = arith.constant 0 : i32
        %add3A_480 = vector.broadcast %add3A_479 : i32 to vector<16xi32>
        %add3A_481 = arith.addi %add3A_480, %and3A_478 : vector<16xi32>
        %gather3A_482 = tpu.vector_load_idx %arg6[%add3A_324, %add3A_481] : memref<128x128xf32, #tpu.memory_space<vmem>>[vector<16xi32>, vector<16xi32>], vector<16xf32>,
        tpu.vector_store_idx %arg8[%add3A_332, %add3A_324], %gather3A : memref<32x128xf32, #tpu.memory_space<vmem>>[vector<16xi32>, vector<16xi32>], vector<16xf32>,
        tpu.vector_store_idx %arg8[%add3A_341, %add3A_324], %gather3A_342 : memref<32x128xf32, #tpu.memory_space<vmem>>[vector<16xi32>, vector<16xi32>], vector<16xf32>,
        tpu.vector_store_idx %arg8[%add3A_351, %add3A_324], %gather3A_352 : memref<32x128xf32, #tpu.memory_space<vmem>>[vector<16xi32>, vector<16xi32>], vector<16xf32>,
        tpu.vector_store_idx %arg8[%add3A_361, %add3A_324], %gather3A_362 : memref<32x128xf32, #tpu.memory_space<vmem>>[vector<16xi32>, vector<16xi32>], vector<16xf32>,
        tpu.vector_store_idx %arg8[%add3A_371, %add3A_324], %gather3A_372 : memref<32x128xf32, #tpu.memory_space<vmem>>[vector<16xi32>, vector<16xi32>], vector<16xf32>,
        tpu.vector_store_idx %arg8[%add3A_381, %add3A_324], %gather3A_382 : memref<32x128xf32, #tpu.memory_space<vmem>>[vector<16xi32>, vector<16xi32>], vector<16xf32>,
        tpu.vector_store_idx %arg8[%add3A_391, %add3A_324], %gather3A_392 : memref<32x128xf32, #tpu.memory_space<vmem>>[vector<16xi32>, vector<16xi32>], vector<16xf32>,
        tpu.vector_store_idx %arg8[%add3A_401, %add3A_324], %gather3A_402 : memref<32x128xf32, #tpu.memory_space<vmem>>[vector<16xi32>, vector<16xi32>], vector<16xf32>,
        tpu.vector_store_idx %arg8[%add3A_411, %add3A_324], %gather3A_412 : memref<32x128xf32, #tpu.memory_space<vmem>>[vector<16xi32>, vector<16xi32>], vector<16xf32>,
        tpu.vector_store_idx %arg8[%add3A_421, %add3A_324], %gather3A_422 : memref<32x128xf32, #tpu.memory_space<vmem>>[vector<16xi32>, vector<16xi32>], vector<16xf32>,
        tpu.vector_store_idx %arg8[%add3A_431, %add3A_324], %gather3A_432 : memref<32x128xf32, #tpu.memory_space<vmem>>[vector<16xi32>, vector<16xi32>], vector<16xf32>,
        tpu.vector_store_idx %arg8[%add3A_441, %add3A_324], %gather3A_442 : memref<32x128xf32, #tpu.memory_space<vmem>>[vector<16xi32>, vector<16xi32>], vector<16xf32>,
        tpu.vector_store_idx %arg8[%add3A_451, %add3A_324], %gather3A_452 : memref<32x128xf32, #tpu.memory_space<vmem>>[vector<16xi32>, vector<16xi32>], vector<16xf32>,
        tpu.vector_store_idx %arg8[%add3A_461, %add3A_324], %gather3A_462 : memref<32x128xf32, #tpu.memory_space<vmem>>[vector<16xi32>, vector<16xi32>], vector<16xf32>,
        tpu.vector_store_idx %arg8[%add3A_471, %add3A_324], %gather3A_472 : memref<32x128xf32, #tpu.memory_space<vmem>>[vector<16xi32>, vector<16xi32>], vector<16xf32>,
        tpu.vector_store_idx %arg8[%add3A_481, %add3A_324], %gather3A_482 : memref<32x128xf32, #tpu.memory_space<vmem>>[vector<16xi32>, vector<16xi32>], vector<16xf32>,
        %add3A_483 = arith.constant 0 : i32
        %add3A_484 = vector.broadcast %add3A_483 : i32 to vector<16xi32>
        %add3A_485 = arith.addi %iota3A, %add3A_484 : vector<16xi32>
        %and3A_486 = arith.constant 15 : i32
        %and3A_487 = vector.broadcast %and3A_486 : i32 to vector<16xi32>
        %and3A_488 = arith.andi %add3A_485, %and3A_487 : vector<16xi32>
        %add3A_489 = arith.constant 16 : i32
        %add3A_490 = vector.broadcast %add3A_489 : i32 to vector<16xi32>
        %add3A_491 = arith.addi %add3A_490, %and3A_488 : vector<16xi32>
        %gather3A_492 = tpu.vector_load_idx %arg6[%add3A_324, %add3A_491] : memref<128x128xf32, #tpu.memory_space<vmem>>[vector<16xi32>, vector<16xi32>], vector<16xf32>,
        %add3A_493 = arith.constant 1 : i32
        %add3A_494 = vector.broadcast %add3A_493 : i32 to vector<16xi32>
        %add3A_495 = arith.addi %iota3A, %add3A_494 : vector<16xi32>
        %and3A_496 = arith.constant 15 : i32
        %and3A_497 = vector.broadcast %and3A_496 : i32 to vector<16xi32>
        %and3A_498 = arith.andi %add3A_495, %and3A_497 : vector<16xi32>
        %add3A_499 = arith.constant 16 : i32
        %add3A_500 = vector.broadcast %add3A_499 : i32 to vector<16xi32>
        %add3A_501 = arith.addi %add3A_500, %and3A_498 : vector<16xi32>
        %gather3A_502 = tpu.vector_load_idx %arg6[%add3A_324, %add3A_501] : memref<128x128xf32, #tpu.memory_space<vmem>>[vector<16xi32>, vector<16xi32>], vector<16xf32>,
        %add3A_503 = arith.constant 2 : i32
        %add3A_504 = vector.broadcast %add3A_503 : i32 to vector<16xi32>
        %add3A_505 = arith.addi %iota3A, %add3A_504 : vector<16xi32>
        %and3A_506 = arith.constant 15 : i32
        %and3A_507 = vector.broadcast %and3A_506 : i32 to vector<16xi32>
        %and3A_508 = arith.andi %add3A_505, %and3A_507 : vector<16xi32>
        %add3A_509 = arith.constant 16 : i32
        %add3A_510 = vector.broadcast %add3A_509 : i32 to vector<16xi32>
        %add3A_511 = arith.addi %add3A_510, %and3A_508 : vector<16xi32>
        %gather3A_512 = tpu.vector_load_idx %arg6[%add3A_324, %add3A_511] : memref<128x128xf32, #tpu.memory_space<vmem>>[vector<16xi32>, vector<16xi32>], vector<16xf32>,
        %add3A_513 = arith.constant 3 : i32
        %add3A_514 = vector.broadcast %add3A_513 : i32 to vector<16xi32>
        %add3A_515 = arith.addi %iota3A, %add3A_514 : vector<16xi32>
        %and3A_516 = arith.constant 15 : i32
        %and3A_517 = vector.broadcast %and3A_516 : i32 to vector<16xi32>
        %and3A_518 = arith.andi %add3A_515, %and3A_517 : vector<16xi32>
        %add3A_519 = arith.constant 16 : i32
        %add3A_520 = vector.broadcast %add3A_519 : i32 to vector<16xi32>
        %add3A_521 = arith.addi %add3A_520, %and3A_518 : vector<16xi32>
        %gather3A_522 = tpu.vector_load_idx %arg6[%add3A_324, %add3A_521] : memref<128x128xf32, #tpu.memory_space<vmem>>[vector<16xi32>, vector<16xi32>], vector<16xf32>,
        %add3A_523 = arith.constant 4 : i32
        %add3A_524 = vector.broadcast %add3A_523 : i32 to vector<16xi32>
        %add3A_525 = arith.addi %iota3A, %add3A_524 : vector<16xi32>
        %and3A_526 = arith.constant 15 : i32
        %and3A_527 = vector.broadcast %and3A_526 : i32 to vector<16xi32>
        %and3A_528 = arith.andi %add3A_525, %and3A_527 : vector<16xi32>
        %add3A_529 = arith.constant 16 : i32
        %add3A_530 = vector.broadcast %add3A_529 : i32 to vector<16xi32>
        %add3A_531 = arith.addi %add3A_530, %and3A_528 : vector<16xi32>
        %gather3A_532 = tpu.vector_load_idx %arg6[%add3A_324, %add3A_531] : memref<128x128xf32, #tpu.memory_space<vmem>>[vector<16xi32>, vector<16xi32>], vector<16xf32>,
        %add3A_533 = arith.constant 5 : i32
        %add3A_534 = vector.broadcast %add3A_533 : i32 to vector<16xi32>
        %add3A_535 = arith.addi %iota3A, %add3A_534 : vector<16xi32>
        %and3A_536 = arith.constant 15 : i32
        %and3A_537 = vector.broadcast %and3A_536 : i32 to vector<16xi32>
        %and3A_538 = arith.andi %add3A_535, %and3A_537 : vector<16xi32>
        %add3A_539 = arith.constant 16 : i32
        %add3A_540 = vector.broadcast %add3A_539 : i32 to vector<16xi32>
        %add3A_541 = arith.addi %add3A_540, %and3A_538 : vector<16xi32>
        %gather3A_542 = tpu.vector_load_idx %arg6[%add3A_324, %add3A_541] : memref<128x128xf32, #tpu.memory_space<vmem>>[vector<16xi32>, vector<16xi32>], vector<16xf32>,
        %add3A_543 = arith.constant 6 : i32
        %add3A_544 = vector.broadcast %add3A_543 : i32 to vector<16xi32>
        %add3A_545 = arith.addi %iota3A, %add3A_544 : vector<16xi32>
        %and3A_546 = arith.constant 15 : i32
        %and3A_547 = vector.broadcast %and3A_546 : i32 to vector<16xi32>
        %and3A_548 = arith.andi %add3A_545, %and3A_547 : vector<16xi32>
        %add3A_549 = arith.constant 16 : i32
        %add3A_550 = vector.broadcast %add3A_549 : i32 to vector<16xi32>
        %add3A_551 = arith.addi %add3A_550, %and3A_548 : vector<16xi32>
        %gather3A_552 = tpu.vector_load_idx %arg6[%add3A_324, %add3A_551] : memref<128x128xf32, #tpu.memory_space<vmem>>[vector<16xi32>, vector<16xi32>], vector<16xf32>,
        %add3A_553 = arith.constant 7 : i32
        %add3A_554 = vector.broadcast %add3A_553 : i32 to vector<16xi32>
        %add3A_555 = arith.addi %iota3A, %add3A_554 : vector<16xi32>
        %and3A_556 = arith.constant 15 : i32
        %and3A_557 = vector.broadcast %and3A_556 : i32 to vector<16xi32>
        %and3A_558 = arith.andi %add3A_555, %and3A_557 : vector<16xi32>
        %add3A_559 = arith.constant 16 : i32
        %add3A_560 = vector.broadcast %add3A_559 : i32 to vector<16xi32>
        %add3A_561 = arith.addi %add3A_560, %and3A_558 : vector<16xi32>
        %gather3A_562 = tpu.vector_load_idx %arg6[%add3A_324, %add3A_561] : memref<128x128xf32, #tpu.memory_space<vmem>>[vector<16xi32>, vector<16xi32>], vector<16xf32>,
        %add3A_563 = arith.constant 8 : i32
        %add3A_564 = vector.broadcast %add3A_563 : i32 to vector<16xi32>
        %add3A_565 = arith.addi %iota3A, %add3A_564 : vector<16xi32>
        %and3A_566 = arith.constant 15 : i32
        %and3A_567 = vector.broadcast %and3A_566 : i32 to vector<16xi32>
        %and3A_568 = arith.andi %add3A_565, %and3A_567 : vector<16xi32>
        %add3A_569 = arith.constant 16 : i32
        %add3A_570 = vector.broadcast %add3A_569 : i32 to vector<16xi32>
        %add3A_571 = arith.addi %add3A_570, %and3A_568 : vector<16xi32>
        %gather3A_572 = tpu.vector_load_idx %arg6[%add3A_324, %add3A_571] : memref<128x128xf32, #tpu.memory_space<vmem>>[vector<16xi32>, vector<16xi32>], vector<16xf32>,
        %add3A_573 = arith.constant 9 : i32
        %add3A_574 = vector.broadcast %add3A_573 : i32 to vector<16xi32>
        %add3A_575 = arith.addi %iota3A, %add3A_574 : vector<16xi32>
        %and3A_576 = arith.constant 15 : i32
        %and3A_577 = vector.broadcast %and3A_576 : i32 to vector<16xi32>
        %and3A_578 = arith.andi %add3A_575, %and3A_577 : vector<16xi32>
        %add3A_579 = arith.constant 16 : i32
        %add3A_580 = vector.broadcast %add3A_579 : i32 to vector<16xi32>
        %add3A_581 = arith.addi %add3A_580, %and3A_578 : vector<16xi32>
        %gather3A_582 = tpu.vector_load_idx %arg6[%add3A_324, %add3A_581] : memref<128x128xf32, #tpu.memory_space<vmem>>[vector<16xi32>, vector<16xi32>], vector<16xf32>,
        %add3A_583 = arith.constant 10 : i32
        %add3A_584 = vector.broadcast %add3A_583 : i32 to vector<16xi32>
        %add3A_585 = arith.addi %iota3A, %add3A_584 : vector<16xi32>
        %and3A_586 = arith.constant 15 : i32
        %and3A_587 = vector.broadcast %and3A_586 : i32 to vector<16xi32>
        %and3A_588 = arith.andi %add3A_585, %and3A_587 : vector<16xi32>
        %add3A_589 = arith.constant 16 : i32
        %add3A_590 = vector.broadcast %add3A_589 : i32 to vector<16xi32>
        %add3A_591 = arith.addi %add3A_590, %and3A_588 : vector<16xi32>
        %gather3A_592 = tpu.vector_load_idx %arg6[%add3A_324, %add3A_591] : memref<128x128xf32, #tpu.memory_space<vmem>>[vector<16xi32>, vector<16xi32>], vector<16xf32>,
        %add3A_593 = arith.constant 11 : i32
        %add3A_594 = vector.broadcast %add3A_593 : i32 to vector<16xi32>
        %add3A_595 = arith.addi %iota3A, %add3A_594 : vector<16xi32>
        %and3A_596 = arith.constant 15 : i32
        %and3A_597 = vector.broadcast %and3A_596 : i32 to vector<16xi32>
        %and3A_598 = arith.andi %add3A_595, %and3A_597 : vector<16xi32>
        %add3A_599 = arith.constant 16 : i32
        %add3A_600 = vector.broadcast %add3A_599 : i32 to vector<16xi32>
        %add3A_601 = arith.addi %add3A_600, %and3A_598 : vector<16xi32>
        %gather3A_602 = tpu.vector_load_idx %arg6[%add3A_324, %add3A_601] : memref<128x128xf32, #tpu.memory_space<vmem>>[vector<16xi32>, vector<16xi32>], vector<16xf32>,
        %add3A_603 = arith.constant 12 : i32
        %add3A_604 = vector.broadcast %add3A_603 : i32 to vector<16xi32>
        %add3A_605 = arith.addi %iota3A, %add3A_604 : vector<16xi32>
        %and3A_606 = arith.constant 15 : i32
        %and3A_607 = vector.broadcast %and3A_606 : i32 to vector<16xi32>
        %and3A_608 = arith.andi %add3A_605, %and3A_607 : vector<16xi32>
        %add3A_609 = arith.constant 16 : i32
        %add3A_610 = vector.broadcast %add3A_609 : i32 to vector<16xi32>
        %add3A_611 = arith.addi %add3A_610, %and3A_608 : vector<16xi32>
        %gather3A_612 = tpu.vector_load_idx %arg6[%add3A_324, %add3A_611] : memref<128x128xf32, #tpu.memory_space<vmem>>[vector<16xi32>, vector<16xi32>], vector<16xf32>,
        %add3A_613 = arith.constant 13 : i32
        %add3A_614 = vector.broadcast %add3A_613 : i32 to vector<16xi32>
        %add3A_615 = arith.addi %iota3A, %add3A_614 : vector<16xi32>
        %and3A_616 = arith.constant 15 : i32
        %and3A_617 = vector.broadcast %and3A_616 : i32 to vector<16xi32>
        %and3A_618 = arith.andi %add3A_615, %and3A_617 : vector<16xi32>
        %add3A_619 = arith.constant 16 : i32
        %add3A_620 = vector.broadcast %add3A_619 : i32 to vector<16xi32>
        %add3A_621 = arith.addi %add3A_620, %and3A_618 : vector<16xi32>
        %gather3A_622 = tpu.vector_load_idx %arg6[%add3A_324, %add3A_621] : memref<128x128xf32, #tpu.memory_space<vmem>>[vector<16xi32>, vector<16xi32>], vector<16xf32>,
        %add3A_623 = arith.constant 14 : i32
        %add3A_624 = vector.broadcast %add3A_623 : i32 to vector<16xi32>
        %add3A_625 = arith.addi %iota3A, %add3A_624 : vector<16xi32>
        %and3A_626 = arith.constant 15 : i32
        %and3A_627 = vector.broadcast %and3A_626 : i32 to vector<16xi32>
        %and3A_628 = arith.andi %add3A_625, %and3A_627 : vector<16xi32>
        %add3A_629 = arith.constant 16 : i32
        %add3A_630 = vector.broadcast %add3A_629 : i32 to vector<16xi32>
        %add3A_631 = arith.addi %add3A_630, %and3A_628 : vector<16xi32>
        %gather3A_632 = tpu.vector_load_idx %arg6[%add3A_324, %add3A_631] : memref<128x128xf32, #tpu.memory_space<vmem>>[vector<16xi32>, vector<16xi32>], vector<16xf32>,
        %add3A_633 = arith.constant 15 : i32
        %add3A_634 = vector.broadcast %add3A_633 : i32 to vector<16xi32>
        %add3A_635 = arith.addi %iota3A, %add3A_634 : vector<16xi32>
        %and3A_636 = arith.constant 15 : i32
        %and3A_637 = vector.broadcast %and3A_636 : i32 to vector<16xi32>
        %and3A_638 = arith.andi %add3A_635, %and3A_637 : vector<16xi32>
        %add3A_639 = arith.constant 16 : i32
        %add3A_640 = vector.broadcast %add3A_639 : i32 to vector<16xi32>
        %add3A_641 = arith.addi %add3A_640, %and3A_638 : vector<16xi32>
        %gather3A_642 = tpu.vector_load_idx %arg6[%add3A_324, %add3A_641] : memref<128x128xf32, #tpu.memory_space<vmem>>[vector<16xi32>, vector<16xi32>], vector<16xf32>,
        tpu.vector_store_idx %arg8[%add3A_491, %add3A_324], %gather3A_492 : memref<32x128xf32, #tpu.memory_space<vmem>>[vector<16xi32>, vector<16xi32>], vector<16xf32>,
        tpu.vector_store_idx %arg8[%add3A_501, %add3A_324], %gather3A_502 : memref<32x128xf32, #tpu.memory_space<vmem>>[vector<16xi32>, vector<16xi32>], vector<16xf32>,
        tpu.vector_store_idx %arg8[%add3A_511, %add3A_324], %gather3A_512 : memref<32x128xf32, #tpu.memory_space<vmem>>[vector<16xi32>, vector<16xi32>], vector<16xf32>,
        tpu.vector_store_idx %arg8[%add3A_521, %add3A_324], %gather3A_522 : memref<32x128xf32, #tpu.memory_space<vmem>>[vector<16xi32>, vector<16xi32>], vector<16xf32>,
        tpu.vector_store_idx %arg8[%add3A_531, %add3A_324], %gather3A_532 : memref<32x128xf32, #tpu.memory_space<vmem>>[vector<16xi32>, vector<16xi32>], vector<16xf32>,
        tpu.vector_store_idx %arg8[%add3A_541, %add3A_324], %gather3A_542 : memref<32x128xf32, #tpu.memory_space<vmem>>[vector<16xi32>, vector<16xi32>], vector<16xf32>,
        tpu.vector_store_idx %arg8[%add3A_551, %add3A_324], %gather3A_552 : memref<32x128xf32, #tpu.memory_space<vmem>>[vector<16xi32>, vector<16xi32>], vector<16xf32>,
        tpu.vector_store_idx %arg8[%add3A_561, %add3A_324], %gather3A_562 : memref<32x128xf32, #tpu.memory_space<vmem>>[vector<16xi32>, vector<16xi32>], vector<16xf32>,
        tpu.vector_store_idx %arg8[%add3A_571, %add3A_324], %gather3A_572 : memref<32x128xf32, #tpu.memory_space<vmem>>[vector<16xi32>, vector<16xi32>], vector<16xf32>,
        tpu.vector_store_idx %arg8[%add3A_581, %add3A_324], %gather3A_582 : memref<32x128xf32, #tpu.memory_space<vmem>>[vector<16xi32>, vector<16xi32>], vector<16xf32>,
        tpu.vector_store_idx %arg8[%add3A_591, %add3A_324], %gather3A_592 : memref<32x128xf32, #tpu.memory_space<vmem>>[vector<16xi32>, vector<16xi32>], vector<16xf32>,
        tpu.vector_store_idx %arg8[%add3A_601, %add3A_324], %gather3A_602 : memref<32x128xf32, #tpu.memory_space<vmem>>[vector<16xi32>, vector<16xi32>], vector<16xf32>,
        tpu.vector_store_idx %arg8[%add3A_611, %add3A_324], %gather3A_612 : memref<32x128xf32, #tpu.memory_space<vmem>>[vector<16xi32>, vector<16xi32>], vector<16xf32>,
        tpu.vector_store_idx %arg8[%add3A_621, %add3A_324], %gather3A_622 : memref<32x128xf32, #tpu.memory_space<vmem>>[vector<16xi32>, vector<16xi32>], vector<16xf32>,
        tpu.vector_store_idx %arg8[%add3A_631, %add3A_324], %gather3A_632 : memref<32x128xf32, #tpu.memory_space<vmem>>[vector<16xi32>, vector<16xi32>], vector<16xf32>,
        tpu.vector_store_idx %arg8[%add3A_641, %add3A_324], %gather3A_642 : memref<32x128xf32, #tpu.memory_space<vmem>>[vector<16xi32>, vector<16xi32>], vector<16xf32>,
      }
      %scan3A_165 = arith.constant 8 : i32
      %add3A_166 = arith.addi %mul3A_2, %mul3A_143 : i32
      %dma_start3A_167 = arith.constant 0 : i32
      %dma_start3A_168 = arith.constant 0 : i32
      %dma_start3A_169 = arith.constant 0 : i32
      %dma_start3A_170 = tpu.memref_slice %arg8[%dma_start3A_168, %dma_start3A_169] : memref<32x128xf32, #tpu.memory_space<vmem>> -> memref<8x128xf32, #tpu.memory_space<vmem>>
      %dma_start3A_171 = arith.constant 0 : i32
      %dma_start3A_172 = arith.constant 0 : i32
      %dma_start3A_173 = tpu.memref_slice %arg4[%dma_start3A_167, %add3A_166, %dma_start3A_171, %dma_start3A_172] : memref<4x6400x8x128xf32, #tpu.memory_space<hbm>> -> memref<1x1x8x128xf32, #tpu.memory_space<hbm>>
      %dma_start3A_174 = tpu.memref_squeeze %dma_start3A_173 : memref<1x1x8x128xf32, #tpu.memory_space<hbm>> -> memref<8x128xf32, #tpu.memory_space<hbm>>
      %dma_start3A_175 = arith.constant 0 : i32
      %dma_start3A_176 = arith.constant 0 : i32
      %dma_start3A_177 = tpu.memref_slice %arg4[%dma_start3A_167, %add3A_166, %dma_start3A_175, %dma_start3A_176] : memref<4x6400x8x128xf32, #tpu.memory_space<hbm>> -> memref<1x1x8x128xf32, #tpu.memory_space<hbm>>
      %dma_start3A_178 = tpu.memref_squeeze %dma_start3A_177 : memref<1x1x8x128xf32, #tpu.memory_space<hbm>> -> memref<8x128xf32, #tpu.memory_space<hbm>>
      %dma_start3A_179 = arith.constant 0 : i32
      %dma_start3A_180 = arith.constant 0 : i32
      %dma_start3A_181 = tpu.memref_slice %arg8[%dma_start3A_179, %dma_start3A_180] : memref<32x128xf32, #tpu.memory_space<vmem>> -> memref<8x128xf32, #tpu.memory_space<vmem>>
      tpu.enqueue_dma source(%dma_start3A_181 : memref<8x128xf32, #tpu.memory_space<vmem>>) target(%dma_start3A_178 : memref<8x128xf32, #tpu.memory_space<hbm>>) target_semaphore(%arg12 : memref<!tpu.dma_semaphore, #tpu.memory_space<semaphore_mem>>)
      %add3A_182 = arith.addi %mul3A_2, %mul3A_143 : i32
      %dma_start3A_183 = arith.constant 1 : i32
      %dma_start3A_184 = arith.constant 8 : i32
      %dma_start3A_185 = arith.constant 0 : i32
      %dma_start3A_186 = tpu.memref_slice %arg8[%dma_start3A_184, %dma_start3A_185] : memref<32x128xf32, #tpu.memory_space<vmem>> -> memref<8x128xf32, #tpu.memory_space<vmem>>
      %dma_start3A_187 = arith.constant 0 : i32
      %dma_start3A_188 = arith.constant 0 : i32
      %dma_start3A_189 = tpu.memref_slice %arg4[%dma_start3A_183, %add3A_182, %dma_start3A_187, %dma_start3A_188] : memref<4x6400x8x128xf32, #tpu.memory_space<hbm>> -> memref<1x1x8x128xf32, #tpu.memory_space<hbm>>
      %dma_start3A_190 = tpu.memref_squeeze %dma_start3A_189 : memref<1x1x8x128xf32, #tpu.memory_space<hbm>> -> memref<8x128xf32, #tpu.memory_space<hbm>>
      %dma_start3A_191 = arith.constant 0 : i32
      %dma_start3A_192 = arith.constant 0 : i32
      %dma_start3A_193 = tpu.memref_slice %arg4[%dma_start3A_183, %add3A_182, %dma_start3A_191, %dma_start3A_192] : memref<4x6400x8x128xf32, #tpu.memory_space<hbm>> -> memref<1x1x8x128xf32, #tpu.memory_space<hbm>>
      %dma_start3A_194 = tpu.memref_squeeze %dma_start3A_193 : memref<1x1x8x128xf32, #tpu.memory_space<hbm>> -> memref<8x128xf32, #tpu.memory_space<hbm>>
      %dma_start3A_195 = arith.constant 8 : i32
      %dma_start3A_196 = arith.constant 0 : i32
      %dma_start3A_197 = tpu.memref_slice %arg8[%dma_start3A_195, %dma_start3A_196] : memref<32x128xf32, #tpu.memory_space<vmem>> -> memref<8x128xf32, #tpu.memory_space<vmem>>
      tpu.enqueue_dma source(%dma_start3A_197 : memref<8x128xf32, #tpu.memory_space<vmem>>) target(%dma_start3A_194 : memref<8x128xf32, #tpu.memory_space<hbm>>) target_semaphore(%arg12 : memref<!tpu.dma_semaphore, #tpu.memory_space<semaphore_mem>>)
      %add3A_198 = arith.addi %mul3A_2, %mul3A_143 : i32
      %dma_start3A_199 = arith.constant 2 : i32
      %dma_start3A_200 = arith.constant 16 : i32
      %dma_start3A_201 = arith.constant 0 : i32
      %dma_start3A_202 = tpu.memref_slice %arg8[%dma_start3A_200, %dma_start3A_201] : memref<32x128xf32, #tpu.memory_space<vmem>> -> memref<8x128xf32, #tpu.memory_space<vmem>>
      %dma_start3A_203 = arith.constant 0 : i32
      %dma_start3A_204 = arith.constant 0 : i32
      %dma_start3A_205 = tpu.memref_slice %arg4[%dma_start3A_199, %add3A_198, %dma_start3A_203, %dma_start3A_204] : memref<4x6400x8x128xf32, #tpu.memory_space<hbm>> -> memref<1x1x8x128xf32, #tpu.memory_space<hbm>>
      %dma_start3A_206 = tpu.memref_squeeze %dma_start3A_205 : memref<1x1x8x128xf32, #tpu.memory_space<hbm>> -> memref<8x128xf32, #tpu.memory_space<hbm>>
      %dma_start3A_207 = arith.constant 0 : i32
      %dma_start3A_208 = arith.constant 0 : i32
      %dma_start3A_209 = tpu.memref_slice %arg4[%dma_start3A_199, %add3A_198, %dma_start3A_207, %dma_start3A_208] : memref<4x6400x8x128xf32, #tpu.memory_space<hbm>> -> memref<1x1x8x128xf32, #tpu.memory_space<hbm>>
      %dma_start3A_210 = tpu.memref_squeeze %dma_start3A_209 : memref<1x1x8x128xf32, #tpu.memory_space<hbm>> -> memref<8x128xf32, #tpu.memory_space<hbm>>
      %dma_start3A_211 = arith.constant 16 : i32
      %dma_start3A_212 = arith.constant 0 : i32
      %dma_start3A_213 = tpu.memref_slice %arg8[%dma_start3A_211, %dma_start3A_212] : memref<32x128xf32, #tpu.memory_space<vmem>> -> memref<8x128xf32, #tpu.memory_space<vmem>>
      tpu.enqueue_dma source(%dma_start3A_213 : memref<8x128xf32, #tpu.memory_space<vmem>>) target(%dma_start3A_210 : memref<8x128xf32, #tpu.memory_space<hbm>>) target_semaphore(%arg12 : memref<!tpu.dma_semaphore, #tpu.memory_space<semaphore_mem>>)
      %add3A_214 = arith.addi %mul3A_2, %mul3A_143 : i32
      %dma_start3A_215 = arith.constant 3 : i32
      %dma_start3A_216 = arith.constant 24 : i32
      %dma_start3A_217 = arith.constant 0 : i32
      %dma_start3A_218 = tpu.memref_slice %arg8[%dma_start3A_216, %dma_start3A_217] : memref<32x128xf32, #tpu.memory_space<vmem>> -> memref<8x128xf32, #tpu.memory_space<vmem>>
      %dma_start3A_219 = arith.constant 0 : i32
      %dma_start3A_220 = arith.constant 0 : i32
      %dma_start3A_221 = tpu.memref_slice %arg4[%dma_start3A_215, %add3A_214, %dma_start3A_219, %dma_start3A_220] : memref<4x6400x8x128xf32, #tpu.memory_space<hbm>> -> memref<1x1x8x128xf32, #tpu.memory_space<hbm>>
      %dma_start3A_222 = tpu.memref_squeeze %dma_start3A_221 : memref<1x1x8x128xf32, #tpu.memory_space<hbm>> -> memref<8x128xf32, #tpu.memory_space<hbm>>
      %dma_start3A_223 = arith.constant 0 : i32
      %dma_start3A_224 = arith.constant 0 : i32
      %dma_start3A_225 = tpu.memref_slice %arg4[%dma_start3A_215, %add3A_214, %dma_start3A_223, %dma_start3A_224] : memref<4x6400x8x128xf32, #tpu.memory_space<hbm>> -> memref<1x1x8x128xf32, #tpu.memory_space<hbm>>
      %dma_start3A_226 = tpu.memref_squeeze %dma_start3A_225 : memref<1x1x8x128xf32, #tpu.memory_space<hbm>> -> memref<8x128xf32, #tpu.memory_space<hbm>>
      %dma_start3A_227 = arith.constant 24 : i32
      %dma_start3A_228 = arith.constant 0 : i32
      %dma_start3A_229 = tpu.memref_slice %arg8[%dma_start3A_227, %dma_start3A_228] : memref<32x128xf32, #tpu.memory_space<vmem>> -> memref<8x128xf32, #tpu.memory_space<vmem>>
      tpu.enqueue_dma source(%dma_start3A_229 : memref<8x128xf32, #tpu.memory_space<vmem>>) target(%dma_start3A_226 : memref<8x128xf32, #tpu.memory_space<hbm>>) target_semaphore(%arg12 : memref<!tpu.dma_semaphore, #tpu.memory_space<semaphore_mem>>)
      %lt3A = arith.constant 99 : i32
      %lt3A_230 = arith.cmpi slt, %scan3A_141, %lt3A : i32
      %convert_element_type3A_231 = arith.extui %lt3A_230 : i1 to i32
      %cond3A_232 = arith.constant 0 : i32
      %cond3A_233 = arith.cmpi ne, %convert_element_type3A_231, %cond3A_232 : i32
      scf.if %cond3A_233 {
        %add3A_320 = arith.constant 2 : i32
        %add3A_321 = arith.addi %mul3A_143, %add3A_320 : i32
        %dma_start3A_322 = arith.constant 0 : i32
        %dma_start3A_323 = tpu.memref_slice %arg5[%add3A_321, %dma_start3A_322] : memref<200x128xi32, #tpu.memory_space<vmem>> -> memref<1x128xi32, #tpu.memory_space<vmem>>
        %dma_start3A_324 = tpu.memref_squeeze %dma_start3A_323 : memref<1x128xi32, #tpu.memory_space<vmem>> -> memref<128xi32, #tpu.memory_space<vmem>>
        %dma_start3A_325 = arith.constant 0 : i32
        %dma_start3A_326 = arith.constant 0 : i32
        %dma_start3A_327 = tpu.memref_slice %arg2[%dma_start3A_325, %dma_start3A_326] : memref<1000000x128xf32, #tpu.memory_space<hbm>> -> memref<1000000x128xf32, #tpu.memory_space<hbm>>
        tpu.enqueue_indirect_dma source(%dma_start3A_327 : memref<1000000x128xf32, #tpu.memory_space<hbm>>) target(%arg6 : memref<128x128xf32, #tpu.memory_space<vmem>>) offsets(%dma_start3A_324 : memref<128xi32, #tpu.memory_space<vmem>>) semaphore(%arg10 : memref<!tpu.dma_semaphore, #tpu.memory_space<semaphore_mem>>)
      } else {
      }
      %add3A_234 = arith.constant 1 : i32
      %add3A_235 = arith.addi %mul3A_143, %add3A_234 : i32
      %dma_wait3A_236 = arith.constant 0 : i32
      %dma_wait3A_237 = tpu.memref_slice %arg5[%add3A_235, %dma_wait3A_236] : memref<200x128xi32, #tpu.memory_space<vmem>> -> memref<1x128xi32, #tpu.memory_space<vmem>>
      %dma_wait3A_238 = tpu.memref_squeeze %dma_wait3A_237 : memref<1x128xi32, #tpu.memory_space<vmem>> -> memref<128xi32, #tpu.memory_space<vmem>>
      %dma_wait3A_239 = arith.constant 0 : i32
      %dma_wait3A_240 = arith.constant 0 : i32
      %dma_wait3A_241 = tpu.memref_slice %arg2[%dma_wait3A_239, %dma_wait3A_240] : memref<1000000x128xf32, #tpu.memory_space<hbm>> -> memref<1000000x128xf32, #tpu.memory_space<hbm>>
      tpu.wait_indirect_dma semaphore(%arg11 : memref<!tpu.dma_semaphore, #tpu.memory_space<semaphore_mem>>) src(%dma_wait3A_241 : memref<1000000x128xf32, #tpu.memory_space<hbm>>) dst(%arg7 : memref<128x128xf32, #tpu.memory_space<vmem>>)
      %gt3A_242 = arith.constant 0 : i32
      %gt3A_243 = arith.cmpi sgt, %scan3A_141, %gt3A_242 : i32
      %convert_element_type3A_244 = arith.extui %gt3A_243 : i1 to i32
      %cond3A_245 = arith.constant 0 : i32
      %cond3A_246 = arith.cmpi ne, %convert_element_type3A_244, %cond3A_245 : i32
      scf.if %cond3A_246 {
        %dma_wait3A_320 = arith.constant 0 : i32
        %dma_wait3A_321 = arith.constant 0 : i32
        %dma_wait3A_322 = arith.constant 0 : i32
        %dma_wait3A_323 = arith.constant 0 : i32
        %dma_wait3A_324 = tpu.memref_slice %arg9[%dma_wait3A_322, %dma_wait3A_323] : memref<32x128xf32, #tpu.memory_space<vmem>> -> memref<8x128xf32, #tpu.memory_space<vmem>>
        %dma_wait3A_325 = arith.constant 0 : i32
        %dma_wait3A_326 = arith.constant 0 : i32
        %dma_wait3A_327 = tpu.memref_slice %arg4[%dma_wait3A_320, %dma_wait3A_321, %dma_wait3A_325, %dma_wait3A_326] : memref<4x6400x8x128xf32, #tpu.memory_space<hbm>> -> memref<1x1x8x128xf32, #tpu.memory_space<hbm>>
        %dma_wait3A_328 = tpu.memref_squeeze %dma_wait3A_327 : memref<1x1x8x128xf32, #tpu.memory_space<hbm>> -> memref<8x128xf32, #tpu.memory_space<hbm>>
        %dma_wait3A_329 = arith.constant 0 : i32
        %dma_wait3A_330 = arith.constant 0 : i32
        %dma_wait3A_331 = tpu.memref_slice %arg4[%dma_wait3A_320, %dma_wait3A_321, %dma_wait3A_329, %dma_wait3A_330] : memref<4x6400x8x128xf32, #tpu.memory_space<hbm>> -> memref<1x1x8x128xf32, #tpu.memory_space<hbm>>
        %dma_wait3A_332 = tpu.memref_squeeze %dma_wait3A_331 : memref<1x1x8x128xf32, #tpu.memory_space<hbm>> -> memref<8x128xf32, #tpu.memory_space<hbm>>
        %dma_wait3A_333 = arith.constant 0 : i32
        %dma_wait3A_334 = arith.constant 0 : i32
        %dma_wait3A_335 = tpu.memref_slice %arg9[%dma_wait3A_333, %dma_wait3A_334] : memref<32x128xf32, #tpu.memory_space<vmem>> -> memref<8x128xf32, #tpu.memory_space<vmem>>
        tpu.wait_dma2 semaphore(%arg13 : memref<!tpu.dma_semaphore, #tpu.memory_space<semaphore_mem>>) src(%dma_wait3A_335 : memref<8x128xf32, #tpu.memory_space<vmem>>) dst(%dma_wait3A_332 : memref<8x128xf32, #tpu.memory_space<hbm>>)
        %dma_wait3A_336 = arith.constant 1 : i32
        %dma_wait3A_337 = arith.constant 0 : i32
        %dma_wait3A_338 = arith.constant 8 : i32
        %dma_wait3A_339 = arith.constant 0 : i32
        %dma_wait3A_340 = tpu.memref_slice %arg9[%dma_wait3A_338, %dma_wait3A_339] : memref<32x128xf32, #tpu.memory_space<vmem>> -> memref<8x128xf32, #tpu.memory_space<vmem>>
        %dma_wait3A_341 = arith.constant 0 : i32
        %dma_wait3A_342 = arith.constant 0 : i32
        %dma_wait3A_343 = tpu.memref_slice %arg4[%dma_wait3A_336, %dma_wait3A_337, %dma_wait3A_341, %dma_wait3A_342] : memref<4x6400x8x128xf32, #tpu.memory_space<hbm>> -> memref<1x1x8x128xf32, #tpu.memory_space<hbm>>
        %dma_wait3A_344 = tpu.memref_squeeze %dma_wait3A_343 : memref<1x1x8x128xf32, #tpu.memory_space<hbm>> -> memref<8x128xf32, #tpu.memory_space<hbm>>
        %dma_wait3A_345 = arith.constant 0 : i32
        %dma_wait3A_346 = arith.constant 0 : i32
        %dma_wait3A_347 = tpu.memref_slice %arg4[%dma_wait3A_336, %dma_wait3A_337, %dma_wait3A_345, %dma_wait3A_346] : memref<4x6400x8x128xf32, #tpu.memory_space<hbm>> -> memref<1x1x8x128xf32, #tpu.memory_space<hbm>>
        %dma_wait3A_348 = tpu.memref_squeeze %dma_wait3A_347 : memref<1x1x8x128xf32, #tpu.memory_space<hbm>> -> memref<8x128xf32, #tpu.memory_space<hbm>>
        %dma_wait3A_349 = arith.constant 8 : i32
        %dma_wait3A_350 = arith.constant 0 : i32
        %dma_wait3A_351 = tpu.memref_slice %arg9[%dma_wait3A_349, %dma_wait3A_350] : memref<32x128xf32, #tpu.memory_space<vmem>> -> memref<8x128xf32, #tpu.memory_space<vmem>>
        tpu.wait_dma2 semaphore(%arg13 : memref<!tpu.dma_semaphore, #tpu.memory_space<semaphore_mem>>) src(%dma_wait3A_351 : memref<8x128xf32, #tpu.memory_space<vmem>>) dst(%dma_wait3A_348 : memref<8x128xf32, #tpu.memory_space<hbm>>)
        %dma_wait3A_352 = arith.constant 2 : i32
        %dma_wait3A_353 = arith.constant 0 : i32
        %dma_wait3A_354 = arith.constant 16 : i32
        %dma_wait3A_355 = arith.constant 0 : i32
        %dma_wait3A_356 = tpu.memref_slice %arg9[%dma_wait3A_354, %dma_wait3A_355] : memref<32x128xf32, #tpu.memory_space<vmem>> -> memref<8x128xf32, #tpu.memory_space<vmem>>
        %dma_wait3A_357 = arith.constant 0 : i32
        %dma_wait3A_358 = arith.constant 0 : i32
        %dma_wait3A_359 = tpu.memref_slice %arg4[%dma_wait3A_352, %dma_wait3A_353, %dma_wait3A_357, %dma_wait3A_358] : memref<4x6400x8x128xf32, #tpu.memory_space<hbm>> -> memref<1x1x8x128xf32, #tpu.memory_space<hbm>>
        %dma_wait3A_360 = tpu.memref_squeeze %dma_wait3A_359 : memref<1x1x8x128xf32, #tpu.memory_space<hbm>> -> memref<8x128xf32, #tpu.memory_space<hbm>>
        %dma_wait3A_361 = arith.constant 0 : i32
        %dma_wait3A_362 = arith.constant 0 : i32
        %dma_wait3A_363 = tpu.memref_slice %arg4[%dma_wait3A_352, %dma_wait3A_353, %dma_wait3A_361, %dma_wait3A_362] : memref<4x6400x8x128xf32, #tpu.memory_space<hbm>> -> memref<1x1x8x128xf32, #tpu.memory_space<hbm>>
        %dma_wait3A_364 = tpu.memref_squeeze %dma_wait3A_363 : memref<1x1x8x128xf32, #tpu.memory_space<hbm>> -> memref<8x128xf32, #tpu.memory_space<hbm>>
        %dma_wait3A_365 = arith.constant 16 : i32
        %dma_wait3A_366 = arith.constant 0 : i32
        %dma_wait3A_367 = tpu.memref_slice %arg9[%dma_wait3A_365, %dma_wait3A_366] : memref<32x128xf32, #tpu.memory_space<vmem>> -> memref<8x128xf32, #tpu.memory_space<vmem>>
        tpu.wait_dma2 semaphore(%arg13 : memref<!tpu.dma_semaphore, #tpu.memory_space<semaphore_mem>>) src(%dma_wait3A_367 : memref<8x128xf32, #tpu.memory_space<vmem>>) dst(%dma_wait3A_364 : memref<8x128xf32, #tpu.memory_space<hbm>>)
        %dma_wait3A_368 = arith.constant 3 : i32
        %dma_wait3A_369 = arith.constant 0 : i32
        %dma_wait3A_370 = arith.constant 24 : i32
        %dma_wait3A_371 = arith.constant 0 : i32
        %dma_wait3A_372 = tpu.memref_slice %arg9[%dma_wait3A_370, %dma_wait3A_371] : memref<32x128xf32, #tpu.memory_space<vmem>> -> memref<8x128xf32, #tpu.memory_space<vmem>>
        %dma_wait3A_373 = arith.constant 0 : i32
        %dma_wait3A_374 = arith.constant 0 : i32
        %dma_wait3A_375 = tpu.memref_slice %arg4[%dma_wait3A_368, %dma_wait3A_369, %dma_wait3A_373, %dma_wait3A_374] : memref<4x6400x8x128xf32, #tpu.memory_space<hbm>> -> memref<1x1x8x128xf32, #tpu.memory_space<hbm>>
        %dma_wait3A_376 = tpu.memref_squeeze %dma_wait3A_375 : memref<1x1x8x128xf32, #tpu.memory_space<hbm>> -> memref<8x128xf32, #tpu.memory_space<hbm>>
        %dma_wait3A_377 = arith.constant 0 : i32
        %dma_wait3A_378 = arith.constant 0 : i32
        %dma_wait3A_379 = tpu.memref_slice %arg4[%dma_wait3A_368, %dma_wait3A_369, %dma_wait3A_377, %dma_wait3A_378] : memref<4x6400x8x128xf32, #tpu.memory_space<hbm>> -> memref<1x1x8x128xf32, #tpu.memory_space<hbm>>
        %dma_wait3A_380 = tpu.memref_squeeze %dma_wait3A_379 : memref<1x1x8x128xf32, #tpu.memory_space<hbm>> -> memref<8x128xf32, #tpu.memory_space<hbm>>
        %dma_wait3A_381 = arith.constant 24 : i32
        %dma_wait3A_382 = arith.constant 0 : i32
        %dma_wait3A_383 = tpu.memref_slice %arg9[%dma_wait3A_381, %dma_wait3A_382] : memref<32x128xf32, #tpu.memory_space<vmem>> -> memref<8x128xf32, #tpu.memory_space<vmem>>
        tpu.wait_dma2 semaphore(%arg13 : memref<!tpu.dma_semaphore, #tpu.memory_space<semaphore_mem>>) src(%dma_wait3A_383 : memref<8x128xf32, #tpu.memory_space<vmem>>) dst(%dma_wait3A_380 : memref<8x128xf32, #tpu.memory_space<hbm>>)
      } else {
      }
      %iota3A_247 = tpu.iota {dimensions = array<i32: 0>} : vector<16xi32>
      %scan3A_248 = arith.constant 0 : i32
      %scan3A_249 = arith.constant 0 : i32
      %scan3A_250 = arith.constant 8 : i32
      %scan3A_251 = arith.addi %scan3A_249, %scan3A_250 : i32
      %scan3A_252 = arith.constant 1 : i32
      scf.for %scan3A_320 = %scan3A_249 to %scan3A_251 step %scan3A_252  : i32 {
        %mul3A_321 = arith.constant 16 : i32
        %mul3A_322 = arith.muli %scan3A_320, %mul3A_321 : i32
        %add3A_323 = vector.broadcast %mul3A_322 : i32 to vector<16xi32>
        %add3A_324 = arith.addi %add3A_323, %iota3A_247 : vector<16xi32>
        %add3A_325 = arith.constant 0 : i32
        %add3A_326 = vector.broadcast %add3A_325 : i32 to vector<16xi32>
        %add3A_327 = arith.addi %iota3A_247, %add3A_326 : vector<16xi32>
        %and3A = arith.constant 15 : i32
        %and3A_328 = vector.broadcast %and3A : i32 to vector<16xi32>
        %and3A_329 = arith.andi %add3A_327, %and3A_328 : vector<16xi32>
        %add3A_330 = arith.constant 0 : i32
        %add3A_331 = vector.broadcast %add3A_330 : i32 to vector<16xi32>
        %add3A_332 = arith.addi %add3A_331, %and3A_329 : vector<16xi32>
        %gather3A = tpu.vector_load_idx %arg7[%add3A_324, %add3A_332] : memref<128x128xf32, #tpu.memory_space<vmem>>[vector<16xi32>, vector<16xi32>], vector<16xf32>,
        %add3A_333 = arith.constant 1 : i32
        %add3A_334 = vector.broadcast %add3A_333 : i32 to vector<16xi32>
        %add3A_335 = arith.addi %iota3A_247, %add3A_334 : vector<16xi32>
        %and3A_336 = arith.constant 15 : i32
        %and3A_337 = vector.broadcast %and3A_336 : i32 to vector<16xi32>
        %and3A_338 = arith.andi %add3A_335, %and3A_337 : vector<16xi32>
        %add3A_339 = arith.constant 0 : i32
        %add3A_340 = vector.broadcast %add3A_339 : i32 to vector<16xi32>
        %add3A_341 = arith.addi %add3A_340, %and3A_338 : vector<16xi32>
        %gather3A_342 = tpu.vector_load_idx %arg7[%add3A_324, %add3A_341] : memref<128x128xf32, #tpu.memory_space<vmem>>[vector<16xi32>, vector<16xi32>], vector<16xf32>,
        %add3A_343 = arith.constant 2 : i32
        %add3A_344 = vector.broadcast %add3A_343 : i32 to vector<16xi32>
        %add3A_345 = arith.addi %iota3A_247, %add3A_344 : vector<16xi32>
        %and3A_346 = arith.constant 15 : i32
        %and3A_347 = vector.broadcast %and3A_346 : i32 to vector<16xi32>
        %and3A_348 = arith.andi %add3A_345, %and3A_347 : vector<16xi32>
        %add3A_349 = arith.constant 0 : i32
        %add3A_350 = vector.broadcast %add3A_349 : i32 to vector<16xi32>
        %add3A_351 = arith.addi %add3A_350, %and3A_348 : vector<16xi32>
        %gather3A_352 = tpu.vector_load_idx %arg7[%add3A_324, %add3A_351] : memref<128x128xf32, #tpu.memory_space<vmem>>[vector<16xi32>, vector<16xi32>], vector<16xf32>,
        %add3A_353 = arith.constant 3 : i32
        %add3A_354 = vector.broadcast %add3A_353 : i32 to vector<16xi32>
        %add3A_355 = arith.addi %iota3A_247, %add3A_354 : vector<16xi32>
        %and3A_356 = arith.constant 15 : i32
        %and3A_357 = vector.broadcast %and3A_356 : i32 to vector<16xi32>
        %and3A_358 = arith.andi %add3A_355, %and3A_357 : vector<16xi32>
        %add3A_359 = arith.constant 0 : i32
        %add3A_360 = vector.broadcast %add3A_359 : i32 to vector<16xi32>
        %add3A_361 = arith.addi %add3A_360, %and3A_358 : vector<16xi32>
        %gather3A_362 = tpu.vector_load_idx %arg7[%add3A_324, %add3A_361] : memref<128x128xf32, #tpu.memory_space<vmem>>[vector<16xi32>, vector<16xi32>], vector<16xf32>,
        %add3A_363 = arith.constant 4 : i32
        %add3A_364 = vector.broadcast %add3A_363 : i32 to vector<16xi32>
        %add3A_365 = arith.addi %iota3A_247, %add3A_364 : vector<16xi32>
        %and3A_366 = arith.constant 15 : i32
        %and3A_367 = vector.broadcast %and3A_366 : i32 to vector<16xi32>
        %and3A_368 = arith.andi %add3A_365, %and3A_367 : vector<16xi32>
        %add3A_369 = arith.constant 0 : i32
        %add3A_370 = vector.broadcast %add3A_369 : i32 to vector<16xi32>
        %add3A_371 = arith.addi %add3A_370, %and3A_368 : vector<16xi32>
        %gather3A_372 = tpu.vector_load_idx %arg7[%add3A_324, %add3A_371] : memref<128x128xf32, #tpu.memory_space<vmem>>[vector<16xi32>, vector<16xi32>], vector<16xf32>,
        %add3A_373 = arith.constant 5 : i32
        %add3A_374 = vector.broadcast %add3A_373 : i32 to vector<16xi32>
        %add3A_375 = arith.addi %iota3A_247, %add3A_374 : vector<16xi32>
        %and3A_376 = arith.constant 15 : i32
        %and3A_377 = vector.broadcast %and3A_376 : i32 to vector<16xi32>
        %and3A_378 = arith.andi %add3A_375, %and3A_377 : vector<16xi32>
        %add3A_379 = arith.constant 0 : i32
        %add3A_380 = vector.broadcast %add3A_379 : i32 to vector<16xi32>
        %add3A_381 = arith.addi %add3A_380, %and3A_378 : vector<16xi32>
        %gather3A_382 = tpu.vector_load_idx %arg7[%add3A_324, %add3A_381] : memref<128x128xf32, #tpu.memory_space<vmem>>[vector<16xi32>, vector<16xi32>], vector<16xf32>,
        %add3A_383 = arith.constant 6 : i32
        %add3A_384 = vector.broadcast %add3A_383 : i32 to vector<16xi32>
        %add3A_385 = arith.addi %iota3A_247, %add3A_384 : vector<16xi32>
        %and3A_386 = arith.constant 15 : i32
        %and3A_387 = vector.broadcast %and3A_386 : i32 to vector<16xi32>
        %and3A_388 = arith.andi %add3A_385, %and3A_387 : vector<16xi32>
        %add3A_389 = arith.constant 0 : i32
        %add3A_390 = vector.broadcast %add3A_389 : i32 to vector<16xi32>
        %add3A_391 = arith.addi %add3A_390, %and3A_388 : vector<16xi32>
        %gather3A_392 = tpu.vector_load_idx %arg7[%add3A_324, %add3A_391] : memref<128x128xf32, #tpu.memory_space<vmem>>[vector<16xi32>, vector<16xi32>], vector<16xf32>,
        %add3A_393 = arith.constant 7 : i32
        %add3A_394 = vector.broadcast %add3A_393 : i32 to vector<16xi32>
        %add3A_395 = arith.addi %iota3A_247, %add3A_394 : vector<16xi32>
        %and3A_396 = arith.constant 15 : i32
        %and3A_397 = vector.broadcast %and3A_396 : i32 to vector<16xi32>
        %and3A_398 = arith.andi %add3A_395, %and3A_397 : vector<16xi32>
        %add3A_399 = arith.constant 0 : i32
        %add3A_400 = vector.broadcast %add3A_399 : i32 to vector<16xi32>
        %add3A_401 = arith.addi %add3A_400, %and3A_398 : vector<16xi32>
        %gather3A_402 = tpu.vector_load_idx %arg7[%add3A_324, %add3A_401] : memref<128x128xf32, #tpu.memory_space<vmem>>[vector<16xi32>, vector<16xi32>], vector<16xf32>,
        %add3A_403 = arith.constant 8 : i32
        %add3A_404 = vector.broadcast %add3A_403 : i32 to vector<16xi32>
        %add3A_405 = arith.addi %iota3A_247, %add3A_404 : vector<16xi32>
        %and3A_406 = arith.constant 15 : i32
        %and3A_407 = vector.broadcast %and3A_406 : i32 to vector<16xi32>
        %and3A_408 = arith.andi %add3A_405, %and3A_407 : vector<16xi32>
        %add3A_409 = arith.constant 0 : i32
        %add3A_410 = vector.broadcast %add3A_409 : i32 to vector<16xi32>
        %add3A_411 = arith.addi %add3A_410, %and3A_408 : vector<16xi32>
        %gather3A_412 = tpu.vector_load_idx %arg7[%add3A_324, %add3A_411] : memref<128x128xf32, #tpu.memory_space<vmem>>[vector<16xi32>, vector<16xi32>], vector<16xf32>,
        %add3A_413 = arith.constant 9 : i32
        %add3A_414 = vector.broadcast %add3A_413 : i32 to vector<16xi32>
        %add3A_415 = arith.addi %iota3A_247, %add3A_414 : vector<16xi32>
        %and3A_416 = arith.constant 15 : i32
        %and3A_417 = vector.broadcast %and3A_416 : i32 to vector<16xi32>
        %and3A_418 = arith.andi %add3A_415, %and3A_417 : vector<16xi32>
        %add3A_419 = arith.constant 0 : i32
        %add3A_420 = vector.broadcast %add3A_419 : i32 to vector<16xi32>
        %add3A_421 = arith.addi %add3A_420, %and3A_418 : vector<16xi32>
        %gather3A_422 = tpu.vector_load_idx %arg7[%add3A_324, %add3A_421] : memref<128x128xf32, #tpu.memory_space<vmem>>[vector<16xi32>, vector<16xi32>], vector<16xf32>,
        %add3A_423 = arith.constant 10 : i32
        %add3A_424 = vector.broadcast %add3A_423 : i32 to vector<16xi32>
        %add3A_425 = arith.addi %iota3A_247, %add3A_424 : vector<16xi32>
        %and3A_426 = arith.constant 15 : i32
        %and3A_427 = vector.broadcast %and3A_426 : i32 to vector<16xi32>
        %and3A_428 = arith.andi %add3A_425, %and3A_427 : vector<16xi32>
        %add3A_429 = arith.constant 0 : i32
        %add3A_430 = vector.broadcast %add3A_429 : i32 to vector<16xi32>
        %add3A_431 = arith.addi %add3A_430, %and3A_428 : vector<16xi32>
        %gather3A_432 = tpu.vector_load_idx %arg7[%add3A_324, %add3A_431] : memref<128x128xf32, #tpu.memory_space<vmem>>[vector<16xi32>, vector<16xi32>], vector<16xf32>,
        %add3A_433 = arith.constant 11 : i32
        %add3A_434 = vector.broadcast %add3A_433 : i32 to vector<16xi32>
        %add3A_435 = arith.addi %iota3A_247, %add3A_434 : vector<16xi32>
        %and3A_436 = arith.constant 15 : i32
        %and3A_437 = vector.broadcast %and3A_436 : i32 to vector<16xi32>
        %and3A_438 = arith.andi %add3A_435, %and3A_437 : vector<16xi32>
        %add3A_439 = arith.constant 0 : i32
        %add3A_440 = vector.broadcast %add3A_439 : i32 to vector<16xi32>
        %add3A_441 = arith.addi %add3A_440, %and3A_438 : vector<16xi32>
        %gather3A_442 = tpu.vector_load_idx %arg7[%add3A_324, %add3A_441] : memref<128x128xf32, #tpu.memory_space<vmem>>[vector<16xi32>, vector<16xi32>], vector<16xf32>,
        %add3A_443 = arith.constant 12 : i32
        %add3A_444 = vector.broadcast %add3A_443 : i32 to vector<16xi32>
        %add3A_445 = arith.addi %iota3A_247, %add3A_444 : vector<16xi32>
        %and3A_446 = arith.constant 15 : i32
        %and3A_447 = vector.broadcast %and3A_446 : i32 to vector<16xi32>
        %and3A_448 = arith.andi %add3A_445, %and3A_447 : vector<16xi32>
        %add3A_449 = arith.constant 0 : i32
        %add3A_450 = vector.broadcast %add3A_449 : i32 to vector<16xi32>
        %add3A_451 = arith.addi %add3A_450, %and3A_448 : vector<16xi32>
        %gather3A_452 = tpu.vector_load_idx %arg7[%add3A_324, %add3A_451] : memref<128x128xf32, #tpu.memory_space<vmem>>[vector<16xi32>, vector<16xi32>], vector<16xf32>,
        %add3A_453 = arith.constant 13 : i32
        %add3A_454 = vector.broadcast %add3A_453 : i32 to vector<16xi32>
        %add3A_455 = arith.addi %iota3A_247, %add3A_454 : vector<16xi32>
        %and3A_456 = arith.constant 15 : i32
        %and3A_457 = vector.broadcast %and3A_456 : i32 to vector<16xi32>
        %and3A_458 = arith.andi %add3A_455, %and3A_457 : vector<16xi32>
        %add3A_459 = arith.constant 0 : i32
        %add3A_460 = vector.broadcast %add3A_459 : i32 to vector<16xi32>
        %add3A_461 = arith.addi %add3A_460, %and3A_458 : vector<16xi32>
        %gather3A_462 = tpu.vector_load_idx %arg7[%add3A_324, %add3A_461] : memref<128x128xf32, #tpu.memory_space<vmem>>[vector<16xi32>, vector<16xi32>], vector<16xf32>,
        %add3A_463 = arith.constant 14 : i32
        %add3A_464 = vector.broadcast %add3A_463 : i32 to vector<16xi32>
        %add3A_465 = arith.addi %iota3A_247, %add3A_464 : vector<16xi32>
        %and3A_466 = arith.constant 15 : i32
        %and3A_467 = vector.broadcast %and3A_466 : i32 to vector<16xi32>
        %and3A_468 = arith.andi %add3A_465, %and3A_467 : vector<16xi32>
        %add3A_469 = arith.constant 0 : i32
        %add3A_470 = vector.broadcast %add3A_469 : i32 to vector<16xi32>
        %add3A_471 = arith.addi %add3A_470, %and3A_468 : vector<16xi32>
        %gather3A_472 = tpu.vector_load_idx %arg7[%add3A_324, %add3A_471] : memref<128x128xf32, #tpu.memory_space<vmem>>[vector<16xi32>, vector<16xi32>], vector<16xf32>,
        %add3A_473 = arith.constant 15 : i32
        %add3A_474 = vector.broadcast %add3A_473 : i32 to vector<16xi32>
        %add3A_475 = arith.addi %iota3A_247, %add3A_474 : vector<16xi32>
        %and3A_476 = arith.constant 15 : i32
        %and3A_477 = vector.broadcast %and3A_476 : i32 to vector<16xi32>
        %and3A_478 = arith.andi %add3A_475, %and3A_477 : vector<16xi32>
        %add3A_479 = arith.constant 0 : i32
        %add3A_480 = vector.broadcast %add3A_479 : i32 to vector<16xi32>
        %add3A_481 = arith.addi %add3A_480, %and3A_478 : vector<16xi32>
        %gather3A_482 = tpu.vector_load_idx %arg7[%add3A_324, %add3A_481] : memref<128x128xf32, #tpu.memory_space<vmem>>[vector<16xi32>, vector<16xi32>], vector<16xf32>,
        tpu.vector_store_idx %arg9[%add3A_332, %add3A_324], %gather3A : memref<32x128xf32, #tpu.memory_space<vmem>>[vector<16xi32>, vector<16xi32>], vector<16xf32>,
        tpu.vector_store_idx %arg9[%add3A_341, %add3A_324], %gather3A_342 : memref<32x128xf32, #tpu.memory_space<vmem>>[vector<16xi32>, vector<16xi32>], vector<16xf32>,
        tpu.vector_store_idx %arg9[%add3A_351, %add3A_324], %gather3A_352 : memref<32x128xf32, #tpu.memory_space<vmem>>[vector<16xi32>, vector<16xi32>], vector<16xf32>,
        tpu.vector_store_idx %arg9[%add3A_361, %add3A_324], %gather3A_362 : memref<32x128xf32, #tpu.memory_space<vmem>>[vector<16xi32>, vector<16xi32>], vector<16xf32>,
        tpu.vector_store_idx %arg9[%add3A_371, %add3A_324], %gather3A_372 : memref<32x128xf32, #tpu.memory_space<vmem>>[vector<16xi32>, vector<16xi32>], vector<16xf32>,
        tpu.vector_store_idx %arg9[%add3A_381, %add3A_324], %gather3A_382 : memref<32x128xf32, #tpu.memory_space<vmem>>[vector<16xi32>, vector<16xi32>], vector<16xf32>,
        tpu.vector_store_idx %arg9[%add3A_391, %add3A_324], %gather3A_392 : memref<32x128xf32, #tpu.memory_space<vmem>>[vector<16xi32>, vector<16xi32>], vector<16xf32>,
        tpu.vector_store_idx %arg9[%add3A_401, %add3A_324], %gather3A_402 : memref<32x128xf32, #tpu.memory_space<vmem>>[vector<16xi32>, vector<16xi32>], vector<16xf32>,
        tpu.vector_store_idx %arg9[%add3A_411, %add3A_324], %gather3A_412 : memref<32x128xf32, #tpu.memory_space<vmem>>[vector<16xi32>, vector<16xi32>], vector<16xf32>,
        tpu.vector_store_idx %arg9[%add3A_421, %add3A_324], %gather3A_422 : memref<32x128xf32, #tpu.memory_space<vmem>>[vector<16xi32>, vector<16xi32>], vector<16xf32>,
        tpu.vector_store_idx %arg9[%add3A_431, %add3A_324], %gather3A_432 : memref<32x128xf32, #tpu.memory_space<vmem>>[vector<16xi32>, vector<16xi32>], vector<16xf32>,
        tpu.vector_store_idx %arg9[%add3A_441, %add3A_324], %gather3A_442 : memref<32x128xf32, #tpu.memory_space<vmem>>[vector<16xi32>, vector<16xi32>], vector<16xf32>,
        tpu.vector_store_idx %arg9[%add3A_451, %add3A_324], %gather3A_452 : memref<32x128xf32, #tpu.memory_space<vmem>>[vector<16xi32>, vector<16xi32>], vector<16xf32>,
        tpu.vector_store_idx %arg9[%add3A_461, %add3A_324], %gather3A_462 : memref<32x128xf32, #tpu.memory_space<vmem>>[vector<16xi32>, vector<16xi32>], vector<16xf32>,
        tpu.vector_store_idx %arg9[%add3A_471, %add3A_324], %gather3A_472 : memref<32x128xf32, #tpu.memory_space<vmem>>[vector<16xi32>, vector<16xi32>], vector<16xf32>,
        tpu.vector_store_idx %arg9[%add3A_481, %add3A_324], %gather3A_482 : memref<32x128xf32, #tpu.memory_space<vmem>>[vector<16xi32>, vector<16xi32>], vector<16xf32>,
        %add3A_483 = arith.constant 0 : i32
        %add3A_484 = vector.broadcast %add3A_483 : i32 to vector<16xi32>
        %add3A_485 = arith.addi %iota3A_247, %add3A_484 : vector<16xi32>
        %and3A_486 = arith.constant 15 : i32
        %and3A_487 = vector.broadcast %and3A_486 : i32 to vector<16xi32>
        %and3A_488 = arith.andi %add3A_485, %and3A_487 : vector<16xi32>
        %add3A_489 = arith.constant 16 : i32
        %add3A_490 = vector.broadcast %add3A_489 : i32 to vector<16xi32>
        %add3A_491 = arith.addi %add3A_490, %and3A_488 : vector<16xi32>
        %gather3A_492 = tpu.vector_load_idx %arg7[%add3A_324, %add3A_491] : memref<128x128xf32, #tpu.memory_space<vmem>>[vector<16xi32>, vector<16xi32>], vector<16xf32>,
        %add3A_493 = arith.constant 1 : i32
        %add3A_494 = vector.broadcast %add3A_493 : i32 to vector<16xi32>
        %add3A_495 = arith.addi %iota3A_247, %add3A_494 : vector<16xi32>
        %and3A_496 = arith.constant 15 : i32
        %and3A_497 = vector.broadcast %and3A_496 : i32 to vector<16xi32>
        %and3A_498 = arith.andi %add3A_495, %and3A_497 : vector<16xi32>
        %add3A_499 = arith.constant 16 : i32
        %add3A_500 = vector.broadcast %add3A_499 : i32 to vector<16xi32>
        %add3A_501 = arith.addi %add3A_500, %and3A_498 : vector<16xi32>
        %gather3A_502 = tpu.vector_load_idx %arg7[%add3A_324, %add3A_501] : memref<128x128xf32, #tpu.memory_space<vmem>>[vector<16xi32>, vector<16xi32>], vector<16xf32>,
        %add3A_503 = arith.constant 2 : i32
        %add3A_504 = vector.broadcast %add3A_503 : i32 to vector<16xi32>
        %add3A_505 = arith.addi %iota3A_247, %add3A_504 : vector<16xi32>
        %and3A_506 = arith.constant 15 : i32
        %and3A_507 = vector.broadcast %and3A_506 : i32 to vector<16xi32>
        %and3A_508 = arith.andi %add3A_505, %and3A_507 : vector<16xi32>
        %add3A_509 = arith.constant 16 : i32
        %add3A_510 = vector.broadcast %add3A_509 : i32 to vector<16xi32>
        %add3A_511 = arith.addi %add3A_510, %and3A_508 : vector<16xi32>
        %gather3A_512 = tpu.vector_load_idx %arg7[%add3A_324, %add3A_511] : memref<128x128xf32, #tpu.memory_space<vmem>>[vector<16xi32>, vector<16xi32>], vector<16xf32>,
        %add3A_513 = arith.constant 3 : i32
        %add3A_514 = vector.broadcast %add3A_513 : i32 to vector<16xi32>
        %add3A_515 = arith.addi %iota3A_247, %add3A_514 : vector<16xi32>
        %and3A_516 = arith.constant 15 : i32
        %and3A_517 = vector.broadcast %and3A_516 : i32 to vector<16xi32>
        %and3A_518 = arith.andi %add3A_515, %and3A_517 : vector<16xi32>
        %add3A_519 = arith.constant 16 : i32
        %add3A_520 = vector.broadcast %add3A_519 : i32 to vector<16xi32>
        %add3A_521 = arith.addi %add3A_520, %and3A_518 : vector<16xi32>
        %gather3A_522 = tpu.vector_load_idx %arg7[%add3A_324, %add3A_521] : memref<128x128xf32, #tpu.memory_space<vmem>>[vector<16xi32>, vector<16xi32>], vector<16xf32>,
        %add3A_523 = arith.constant 4 : i32
        %add3A_524 = vector.broadcast %add3A_523 : i32 to vector<16xi32>
        %add3A_525 = arith.addi %iota3A_247, %add3A_524 : vector<16xi32>
        %and3A_526 = arith.constant 15 : i32
        %and3A_527 = vector.broadcast %and3A_526 : i32 to vector<16xi32>
        %and3A_528 = arith.andi %add3A_525, %and3A_527 : vector<16xi32>
        %add3A_529 = arith.constant 16 : i32
        %add3A_530 = vector.broadcast %add3A_529 : i32 to vector<16xi32>
        %add3A_531 = arith.addi %add3A_530, %and3A_528 : vector<16xi32>
        %gather3A_532 = tpu.vector_load_idx %arg7[%add3A_324, %add3A_531] : memref<128x128xf32, #tpu.memory_space<vmem>>[vector<16xi32>, vector<16xi32>], vector<16xf32>,
        %add3A_533 = arith.constant 5 : i32
        %add3A_534 = vector.broadcast %add3A_533 : i32 to vector<16xi32>
        %add3A_535 = arith.addi %iota3A_247, %add3A_534 : vector<16xi32>
        %and3A_536 = arith.constant 15 : i32
        %and3A_537 = vector.broadcast %and3A_536 : i32 to vector<16xi32>
        %and3A_538 = arith.andi %add3A_535, %and3A_537 : vector<16xi32>
        %add3A_539 = arith.constant 16 : i32
        %add3A_540 = vector.broadcast %add3A_539 : i32 to vector<16xi32>
        %add3A_541 = arith.addi %add3A_540, %and3A_538 : vector<16xi32>
        %gather3A_542 = tpu.vector_load_idx %arg7[%add3A_324, %add3A_541] : memref<128x128xf32, #tpu.memory_space<vmem>>[vector<16xi32>, vector<16xi32>], vector<16xf32>,
        %add3A_543 = arith.constant 6 : i32
        %add3A_544 = vector.broadcast %add3A_543 : i32 to vector<16xi32>
        %add3A_545 = arith.addi %iota3A_247, %add3A_544 : vector<16xi32>
        %and3A_546 = arith.constant 15 : i32
        %and3A_547 = vector.broadcast %and3A_546 : i32 to vector<16xi32>
        %and3A_548 = arith.andi %add3A_545, %and3A_547 : vector<16xi32>
        %add3A_549 = arith.constant 16 : i32
        %add3A_550 = vector.broadcast %add3A_549 : i32 to vector<16xi32>
        %add3A_551 = arith.addi %add3A_550, %and3A_548 : vector<16xi32>
        %gather3A_552 = tpu.vector_load_idx %arg7[%add3A_324, %add3A_551] : memref<128x128xf32, #tpu.memory_space<vmem>>[vector<16xi32>, vector<16xi32>], vector<16xf32>,
        %add3A_553 = arith.constant 7 : i32
        %add3A_554 = vector.broadcast %add3A_553 : i32 to vector<16xi32>
        %add3A_555 = arith.addi %iota3A_247, %add3A_554 : vector<16xi32>
        %and3A_556 = arith.constant 15 : i32
        %and3A_557 = vector.broadcast %and3A_556 : i32 to vector<16xi32>
        %and3A_558 = arith.andi %add3A_555, %and3A_557 : vector<16xi32>
        %add3A_559 = arith.constant 16 : i32
        %add3A_560 = vector.broadcast %add3A_559 : i32 to vector<16xi32>
        %add3A_561 = arith.addi %add3A_560, %and3A_558 : vector<16xi32>
        %gather3A_562 = tpu.vector_load_idx %arg7[%add3A_324, %add3A_561] : memref<128x128xf32, #tpu.memory_space<vmem>>[vector<16xi32>, vector<16xi32>], vector<16xf32>,
        %add3A_563 = arith.constant 8 : i32
        %add3A_564 = vector.broadcast %add3A_563 : i32 to vector<16xi32>
        %add3A_565 = arith.addi %iota3A_247, %add3A_564 : vector<16xi32>
        %and3A_566 = arith.constant 15 : i32
        %and3A_567 = vector.broadcast %and3A_566 : i32 to vector<16xi32>
        %and3A_568 = arith.andi %add3A_565, %and3A_567 : vector<16xi32>
        %add3A_569 = arith.constant 16 : i32
        %add3A_570 = vector.broadcast %add3A_569 : i32 to vector<16xi32>
        %add3A_571 = arith.addi %add3A_570, %and3A_568 : vector<16xi32>
        %gather3A_572 = tpu.vector_load_idx %arg7[%add3A_324, %add3A_571] : memref<128x128xf32, #tpu.memory_space<vmem>>[vector<16xi32>, vector<16xi32>], vector<16xf32>,
        %add3A_573 = arith.constant 9 : i32
        %add3A_574 = vector.broadcast %add3A_573 : i32 to vector<16xi32>
        %add3A_575 = arith.addi %iota3A_247, %add3A_574 : vector<16xi32>
        %and3A_576 = arith.constant 15 : i32
        %and3A_577 = vector.broadcast %and3A_576 : i32 to vector<16xi32>
        %and3A_578 = arith.andi %add3A_575, %and3A_577 : vector<16xi32>
        %add3A_579 = arith.constant 16 : i32
        %add3A_580 = vector.broadcast %add3A_579 : i32 to vector<16xi32>
        %add3A_581 = arith.addi %add3A_580, %and3A_578 : vector<16xi32>
        %gather3A_582 = tpu.vector_load_idx %arg7[%add3A_324, %add3A_581] : memref<128x128xf32, #tpu.memory_space<vmem>>[vector<16xi32>, vector<16xi32>], vector<16xf32>,
        %add3A_583 = arith.constant 10 : i32
        %add3A_584 = vector.broadcast %add3A_583 : i32 to vector<16xi32>
        %add3A_585 = arith.addi %iota3A_247, %add3A_584 : vector<16xi32>
        %and3A_586 = arith.constant 15 : i32
        %and3A_587 = vector.broadcast %and3A_586 : i32 to vector<16xi32>
        %and3A_588 = arith.andi %add3A_585, %and3A_587 : vector<16xi32>
        %add3A_589 = arith.constant 16 : i32
        %add3A_590 = vector.broadcast %add3A_589 : i32 to vector<16xi32>
        %add3A_591 = arith.addi %add3A_590, %and3A_588 : vector<16xi32>
        %gather3A_592 = tpu.vector_load_idx %arg7[%add3A_324, %add3A_591] : memref<128x128xf32, #tpu.memory_space<vmem>>[vector<16xi32>, vector<16xi32>], vector<16xf32>,
        %add3A_593 = arith.constant 11 : i32
        %add3A_594 = vector.broadcast %add3A_593 : i32 to vector<16xi32>
        %add3A_595 = arith.addi %iota3A_247, %add3A_594 : vector<16xi32>
        %and3A_596 = arith.constant 15 : i32
        %and3A_597 = vector.broadcast %and3A_596 : i32 to vector<16xi32>
        %and3A_598 = arith.andi %add3A_595, %and3A_597 : vector<16xi32>
        %add3A_599 = arith.constant 16 : i32
        %add3A_600 = vector.broadcast %add3A_599 : i32 to vector<16xi32>
        %add3A_601 = arith.addi %add3A_600, %and3A_598 : vector<16xi32>
        %gather3A_602 = tpu.vector_load_idx %arg7[%add3A_324, %add3A_601] : memref<128x128xf32, #tpu.memory_space<vmem>>[vector<16xi32>, vector<16xi32>], vector<16xf32>,
        %add3A_603 = arith.constant 12 : i32
        %add3A_604 = vector.broadcast %add3A_603 : i32 to vector<16xi32>
        %add3A_605 = arith.addi %iota3A_247, %add3A_604 : vector<16xi32>
        %and3A_606 = arith.constant 15 : i32
        %and3A_607 = vector.broadcast %and3A_606 : i32 to vector<16xi32>
        %and3A_608 = arith.andi %add3A_605, %and3A_607 : vector<16xi32>
        %add3A_609 = arith.constant 16 : i32
        %add3A_610 = vector.broadcast %add3A_609 : i32 to vector<16xi32>
        %add3A_611 = arith.addi %add3A_610, %and3A_608 : vector<16xi32>
        %gather3A_612 = tpu.vector_load_idx %arg7[%add3A_324, %add3A_611] : memref<128x128xf32, #tpu.memory_space<vmem>>[vector<16xi32>, vector<16xi32>], vector<16xf32>,
        %add3A_613 = arith.constant 13 : i32
        %add3A_614 = vector.broadcast %add3A_613 : i32 to vector<16xi32>
        %add3A_615 = arith.addi %iota3A_247, %add3A_614 : vector<16xi32>
        %and3A_616 = arith.constant 15 : i32
        %and3A_617 = vector.broadcast %and3A_616 : i32 to vector<16xi32>
        %and3A_618 = arith.andi %add3A_615, %and3A_617 : vector<16xi32>
        %add3A_619 = arith.constant 16 : i32
        %add3A_620 = vector.broadcast %add3A_619 : i32 to vector<16xi32>
        %add3A_621 = arith.addi %add3A_620, %and3A_618 : vector<16xi32>
        %gather3A_622 = tpu.vector_load_idx %arg7[%add3A_324, %add3A_621] : memref<128x128xf32, #tpu.memory_space<vmem>>[vector<16xi32>, vector<16xi32>], vector<16xf32>,
        %add3A_623 = arith.constant 14 : i32
        %add3A_624 = vector.broadcast %add3A_623 : i32 to vector<16xi32>
        %add3A_625 = arith.addi %iota3A_247, %add3A_624 : vector<16xi32>
        %and3A_626 = arith.constant 15 : i32
        %and3A_627 = vector.broadcast %and3A_626 : i32 to vector<16xi32>
        %and3A_628 = arith.andi %add3A_625, %and3A_627 : vector<16xi32>
        %add3A_629 = arith.constant 16 : i32
        %add3A_630 = vector.broadcast %add3A_629 : i32 to vector<16xi32>
        %add3A_631 = arith.addi %add3A_630, %and3A_628 : vector<16xi32>
        %gather3A_632 = tpu.vector_load_idx %arg7[%add3A_324, %add3A_631] : memref<128x128xf32, #tpu.memory_space<vmem>>[vector<16xi32>, vector<16xi32>], vector<16xf32>,
        %add3A_633 = arith.constant 15 : i32
        %add3A_634 = vector.broadcast %add3A_633 : i32 to vector<16xi32>
        %add3A_635 = arith.addi %iota3A_247, %add3A_634 : vector<16xi32>
        %and3A_636 = arith.constant 15 : i32
        %and3A_637 = vector.broadcast %and3A_636 : i32 to vector<16xi32>
        %and3A_638 = arith.andi %add3A_635, %and3A_637 : vector<16xi32>
        %add3A_639 = arith.constant 16 : i32
        %add3A_640 = vector.broadcast %add3A_639 : i32 to vector<16xi32>
        %add3A_641 = arith.addi %add3A_640, %and3A_638 : vector<16xi32>
        %gather3A_642 = tpu.vector_load_idx %arg7[%add3A_324, %add3A_641] : memref<128x128xf32, #tpu.memory_space<vmem>>[vector<16xi32>, vector<16xi32>], vector<16xf32>,
        tpu.vector_store_idx %arg9[%add3A_491, %add3A_324], %gather3A_492 : memref<32x128xf32, #tpu.memory_space<vmem>>[vector<16xi32>, vector<16xi32>], vector<16xf32>,
        tpu.vector_store_idx %arg9[%add3A_501, %add3A_324], %gather3A_502 : memref<32x128xf32, #tpu.memory_space<vmem>>[vector<16xi32>, vector<16xi32>], vector<16xf32>,
        tpu.vector_store_idx %arg9[%add3A_511, %add3A_324], %gather3A_512 : memref<32x128xf32, #tpu.memory_space<vmem>>[vector<16xi32>, vector<16xi32>], vector<16xf32>,
        tpu.vector_store_idx %arg9[%add3A_521, %add3A_324], %gather3A_522 : memref<32x128xf32, #tpu.memory_space<vmem>>[vector<16xi32>, vector<16xi32>], vector<16xf32>,
        tpu.vector_store_idx %arg9[%add3A_531, %add3A_324], %gather3A_532 : memref<32x128xf32, #tpu.memory_space<vmem>>[vector<16xi32>, vector<16xi32>], vector<16xf32>,
        tpu.vector_store_idx %arg9[%add3A_541, %add3A_324], %gather3A_542 : memref<32x128xf32, #tpu.memory_space<vmem>>[vector<16xi32>, vector<16xi32>], vector<16xf32>,
        tpu.vector_store_idx %arg9[%add3A_551, %add3A_324], %gather3A_552 : memref<32x128xf32, #tpu.memory_space<vmem>>[vector<16xi32>, vector<16xi32>], vector<16xf32>,
        tpu.vector_store_idx %arg9[%add3A_561, %add3A_324], %gather3A_562 : memref<32x128xf32, #tpu.memory_space<vmem>>[vector<16xi32>, vector<16xi32>], vector<16xf32>,
        tpu.vector_store_idx %arg9[%add3A_571, %add3A_324], %gather3A_572 : memref<32x128xf32, #tpu.memory_space<vmem>>[vector<16xi32>, vector<16xi32>], vector<16xf32>,
        tpu.vector_store_idx %arg9[%add3A_581, %add3A_324], %gather3A_582 : memref<32x128xf32, #tpu.memory_space<vmem>>[vector<16xi32>, vector<16xi32>], vector<16xf32>,
        tpu.vector_store_idx %arg9[%add3A_591, %add3A_324], %gather3A_592 : memref<32x128xf32, #tpu.memory_space<vmem>>[vector<16xi32>, vector<16xi32>], vector<16xf32>,
        tpu.vector_store_idx %arg9[%add3A_601, %add3A_324], %gather3A_602 : memref<32x128xf32, #tpu.memory_space<vmem>>[vector<16xi32>, vector<16xi32>], vector<16xf32>,
        tpu.vector_store_idx %arg9[%add3A_611, %add3A_324], %gather3A_612 : memref<32x128xf32, #tpu.memory_space<vmem>>[vector<16xi32>, vector<16xi32>], vector<16xf32>,
        tpu.vector_store_idx %arg9[%add3A_621, %add3A_324], %gather3A_622 : memref<32x128xf32, #tpu.memory_space<vmem>>[vector<16xi32>, vector<16xi32>], vector<16xf32>,
        tpu.vector_store_idx %arg9[%add3A_631, %add3A_324], %gather3A_632 : memref<32x128xf32, #tpu.memory_space<vmem>>[vector<16xi32>, vector<16xi32>], vector<16xf32>,
        tpu.vector_store_idx %arg9[%add3A_641, %add3A_324], %gather3A_642 : memref<32x128xf32, #tpu.memory_space<vmem>>[vector<16xi32>, vector<16xi32>], vector<16xf32>,
      }
      %scan3A_253 = arith.constant 8 : i32
      %add3A_254 = arith.constant 1 : i32
      %add3A_255 = arith.addi %mul3A_143, %add3A_254 : i32
      %add3A_256 = arith.addi %mul3A_2, %add3A_255 : i32
      %dma_start3A_257 = arith.constant 0 : i32
      %dma_start3A_258 = arith.constant 0 : i32
      %dma_start3A_259 = arith.constant 0 : i32
      %dma_start3A_260 = tpu.memref_slice %arg9[%dma_start3A_258, %dma_start3A_259] : memref<32x128xf32, #tpu.memory_space<vmem>> -> memref<8x128xf32, #tpu.memory_space<vmem>>
      %dma_start3A_261 = arith.constant 0 : i32
      %dma_start3A_262 = arith.constant 0 : i32
      %dma_start3A_263 = tpu.memref_slice %arg4[%dma_start3A_257, %add3A_256, %dma_start3A_261, %dma_start3A_262] : memref<4x6400x8x128xf32, #tpu.memory_space<hbm>> -> memref<1x1x8x128xf32, #tpu.memory_space<hbm>>
      %dma_start3A_264 = tpu.memref_squeeze %dma_start3A_263 : memref<1x1x8x128xf32, #tpu.memory_space<hbm>> -> memref<8x128xf32, #tpu.memory_space<hbm>>
      %dma_start3A_265 = arith.constant 0 : i32
      %dma_start3A_266 = arith.constant 0 : i32
      %dma_start3A_267 = tpu.memref_slice %arg4[%dma_start3A_257, %add3A_256, %dma_start3A_265, %dma_start3A_266] : memref<4x6400x8x128xf32, #tpu.memory_space<hbm>> -> memref<1x1x8x128xf32, #tpu.memory_space<hbm>>
      %dma_start3A_268 = tpu.memref_squeeze %dma_start3A_267 : memref<1x1x8x128xf32, #tpu.memory_space<hbm>> -> memref<8x128xf32, #tpu.memory_space<hbm>>
      %dma_start3A_269 = arith.constant 0 : i32
      %dma_start3A_270 = arith.constant 0 : i32
      %dma_start3A_271 = tpu.memref_slice %arg9[%dma_start3A_269, %dma_start3A_270] : memref<32x128xf32, #tpu.memory_space<vmem>> -> memref<8x128xf32, #tpu.memory_space<vmem>>
      tpu.enqueue_dma source(%dma_start3A_271 : memref<8x128xf32, #tpu.memory_space<vmem>>) target(%dma_start3A_268 : memref<8x128xf32, #tpu.memory_space<hbm>>) target_semaphore(%arg13 : memref<!tpu.dma_semaphore, #tpu.memory_space<semaphore_mem>>)
      %add3A_272 = arith.addi %mul3A_2, %add3A_255 : i32
      %dma_start3A_273 = arith.constant 1 : i32
      %dma_start3A_274 = arith.constant 8 : i32
      %dma_start3A_275 = arith.constant 0 : i32
      %dma_start3A_276 = tpu.memref_slice %arg9[%dma_start3A_274, %dma_start3A_275] : memref<32x128xf32, #tpu.memory_space<vmem>> -> memref<8x128xf32, #tpu.memory_space<vmem>>
      %dma_start3A_277 = arith.constant 0 : i32
      %dma_start3A_278 = arith.constant 0 : i32
      %dma_start3A_279 = tpu.memref_slice %arg4[%dma_start3A_273, %add3A_272, %dma_start3A_277, %dma_start3A_278] : memref<4x6400x8x128xf32, #tpu.memory_space<hbm>> -> memref<1x1x8x128xf32, #tpu.memory_space<hbm>>
      %dma_start3A_280 = tpu.memref_squeeze %dma_start3A_279 : memref<1x1x8x128xf32, #tpu.memory_space<hbm>> -> memref<8x128xf32, #tpu.memory_space<hbm>>
      %dma_start3A_281 = arith.constant 0 : i32
      %dma_start3A_282 = arith.constant 0 : i32
      %dma_start3A_283 = tpu.memref_slice %arg4[%dma_start3A_273, %add3A_272, %dma_start3A_281, %dma_start3A_282] : memref<4x6400x8x128xf32, #tpu.memory_space<hbm>> -> memref<1x1x8x128xf32, #tpu.memory_space<hbm>>
      %dma_start3A_284 = tpu.memref_squeeze %dma_start3A_283 : memref<1x1x8x128xf32, #tpu.memory_space<hbm>> -> memref<8x128xf32, #tpu.memory_space<hbm>>
      %dma_start3A_285 = arith.constant 8 : i32
      %dma_start3A_286 = arith.constant 0 : i32
      %dma_start3A_287 = tpu.memref_slice %arg9[%dma_start3A_285, %dma_start3A_286] : memref<32x128xf32, #tpu.memory_space<vmem>> -> memref<8x128xf32, #tpu.memory_space<vmem>>
      tpu.enqueue_dma source(%dma_start3A_287 : memref<8x128xf32, #tpu.memory_space<vmem>>) target(%dma_start3A_284 : memref<8x128xf32, #tpu.memory_space<hbm>>) target_semaphore(%arg13 : memref<!tpu.dma_semaphore, #tpu.memory_space<semaphore_mem>>)
      %add3A_288 = arith.addi %mul3A_2, %add3A_255 : i32
      %dma_start3A_289 = arith.constant 2 : i32
      %dma_start3A_290 = arith.constant 16 : i32
      %dma_start3A_291 = arith.constant 0 : i32
      %dma_start3A_292 = tpu.memref_slice %arg9[%dma_start3A_290, %dma_start3A_291] : memref<32x128xf32, #tpu.memory_space<vmem>> -> memref<8x128xf32, #tpu.memory_space<vmem>>
      %dma_start3A_293 = arith.constant 0 : i32
      %dma_start3A_294 = arith.constant 0 : i32
      %dma_start3A_295 = tpu.memref_slice %arg4[%dma_start3A_289, %add3A_288, %dma_start3A_293, %dma_start3A_294] : memref<4x6400x8x128xf32, #tpu.memory_space<hbm>> -> memref<1x1x8x128xf32, #tpu.memory_space<hbm>>
      %dma_start3A_296 = tpu.memref_squeeze %dma_start3A_295 : memref<1x1x8x128xf32, #tpu.memory_space<hbm>> -> memref<8x128xf32, #tpu.memory_space<hbm>>
      %dma_start3A_297 = arith.constant 0 : i32
      %dma_start3A_298 = arith.constant 0 : i32
      %dma_start3A_299 = tpu.memref_slice %arg4[%dma_start3A_289, %add3A_288, %dma_start3A_297, %dma_start3A_298] : memref<4x6400x8x128xf32, #tpu.memory_space<hbm>> -> memref<1x1x8x128xf32, #tpu.memory_space<hbm>>
      %dma_start3A_300 = tpu.memref_squeeze %dma_start3A_299 : memref<1x1x8x128xf32, #tpu.memory_space<hbm>> -> memref<8x128xf32, #tpu.memory_space<hbm>>
      %dma_start3A_301 = arith.constant 16 : i32
      %dma_start3A_302 = arith.constant 0 : i32
      %dma_start3A_303 = tpu.memref_slice %arg9[%dma_start3A_301, %dma_start3A_302] : memref<32x128xf32, #tpu.memory_space<vmem>> -> memref<8x128xf32, #tpu.memory_space<vmem>>
      tpu.enqueue_dma source(%dma_start3A_303 : memref<8x128xf32, #tpu.memory_space<vmem>>) target(%dma_start3A_300 : memref<8x128xf32, #tpu.memory_space<hbm>>) target_semaphore(%arg13 : memref<!tpu.dma_semaphore, #tpu.memory_space<semaphore_mem>>)
      %add3A_304 = arith.addi %mul3A_2, %add3A_255 : i32
      %dma_start3A_305 = arith.constant 3 : i32
      %dma_start3A_306 = arith.constant 24 : i32
      %dma_start3A_307 = arith.constant 0 : i32
      %dma_start3A_308 = tpu.memref_slice %arg9[%dma_start3A_306, %dma_start3A_307] : memref<32x128xf32, #tpu.memory_space<vmem>> -> memref<8x128xf32, #tpu.memory_space<vmem>>
      %dma_start3A_309 = arith.constant 0 : i32
      %dma_start3A_310 = arith.constant 0 : i32
      %dma_start3A_311 = tpu.memref_slice %arg4[%dma_start3A_305, %add3A_304, %dma_start3A_309, %dma_start3A_310] : memref<4x6400x8x128xf32, #tpu.memory_space<hbm>> -> memref<1x1x8x128xf32, #tpu.memory_space<hbm>>
      %dma_start3A_312 = tpu.memref_squeeze %dma_start3A_311 : memref<1x1x8x128xf32, #tpu.memory_space<hbm>> -> memref<8x128xf32, #tpu.memory_space<hbm>>
      %dma_start3A_313 = arith.constant 0 : i32
      %dma_start3A_314 = arith.constant 0 : i32
      %dma_start3A_315 = tpu.memref_slice %arg4[%dma_start3A_305, %add3A_304, %dma_start3A_313, %dma_start3A_314] : memref<4x6400x8x128xf32, #tpu.memory_space<hbm>> -> memref<1x1x8x128xf32, #tpu.memory_space<hbm>>
      %dma_start3A_316 = tpu.memref_squeeze %dma_start3A_315 : memref<1x1x8x128xf32, #tpu.memory_space<hbm>> -> memref<8x128xf32, #tpu.memory_space<hbm>>
      %dma_start3A_317 = arith.constant 24 : i32
      %dma_start3A_318 = arith.constant 0 : i32
      %dma_start3A_319 = tpu.memref_slice %arg9[%dma_start3A_317, %dma_start3A_318] : memref<32x128xf32, #tpu.memory_space<vmem>> -> memref<8x128xf32, #tpu.memory_space<vmem>>
      tpu.enqueue_dma source(%dma_start3A_319 : memref<8x128xf32, #tpu.memory_space<vmem>>) target(%dma_start3A_316 : memref<8x128xf32, #tpu.memory_space<hbm>>) target_semaphore(%arg13 : memref<!tpu.dma_semaphore, #tpu.memory_space<semaphore_mem>>)
    }
    %scan3A_13 = arith.constant 100 : i32
    %dma_wait3A = arith.constant 0 : i32
    %dma_wait3A_14 = arith.constant 0 : i32
    %dma_wait3A_15 = arith.constant 0 : i32
    %dma_wait3A_16 = arith.constant 0 : i32
    %dma_wait3A_17 = tpu.memref_slice %arg8[%dma_wait3A_15, %dma_wait3A_16] : memref<32x128xf32, #tpu.memory_space<vmem>> -> memref<8x128xf32, #tpu.memory_space<vmem>>
    %dma_wait3A_18 = arith.constant 0 : i32
    %dma_wait3A_19 = arith.constant 0 : i32
    %dma_wait3A_20 = tpu.memref_slice %arg4[%dma_wait3A, %dma_wait3A_14, %dma_wait3A_18, %dma_wait3A_19] : memref<4x6400x8x128xf32, #tpu.memory_space<hbm>> -> memref<1x1x8x128xf32, #tpu.memory_space<hbm>>
    %dma_wait3A_21 = tpu.memref_squeeze %dma_wait3A_20 : memref<1x1x8x128xf32, #tpu.memory_space<hbm>> -> memref<8x128xf32, #tpu.memory_space<hbm>>
    %dma_wait3A_22 = arith.constant 0 : i32
    %dma_wait3A_23 = arith.constant 0 : i32
    %dma_wait3A_24 = tpu.memref_slice %arg4[%dma_wait3A, %dma_wait3A_14, %dma_wait3A_22, %dma_wait3A_23] : memref<4x6400x8x128xf32, #tpu.memory_space<hbm>> -> memref<1x1x8x128xf32, #tpu.memory_space<hbm>>
    %dma_wait3A_25 = tpu.memref_squeeze %dma_wait3A_24 : memref<1x1x8x128xf32, #tpu.memory_space<hbm>> -> memref<8x128xf32, #tpu.memory_space<hbm>>
    %dma_wait3A_26 = arith.constant 0 : i32
    %dma_wait3A_27 = arith.constant 0 : i32
    %dma_wait3A_28 = tpu.memref_slice %arg8[%dma_wait3A_26, %dma_wait3A_27] : memref<32x128xf32, #tpu.memory_space<vmem>> -> memref<8x128xf32, #tpu.memory_space<vmem>>
    tpu.wait_dma2 semaphore(%arg12 : memref<!tpu.dma_semaphore, #tpu.memory_space<semaphore_mem>>) src(%dma_wait3A_28 : memref<8x128xf32, #tpu.memory_space<vmem>>) dst(%dma_wait3A_25 : memref<8x128xf32, #tpu.memory_space<hbm>>)
    %dma_wait3A_29 = arith.constant 1 : i32
    %dma_wait3A_30 = arith.constant 0 : i32
    %dma_wait3A_31 = arith.constant 8 : i32
    %dma_wait3A_32 = arith.constant 0 : i32
    %dma_wait3A_33 = tpu.memref_slice %arg8[%dma_wait3A_31, %dma_wait3A_32] : memref<32x128xf32, #tpu.memory_space<vmem>> -> memref<8x128xf32, #tpu.memory_space<vmem>>
    %dma_wait3A_34 = arith.constant 0 : i32
    %dma_wait3A_35 = arith.constant 0 : i32
    %dma_wait3A_36 = tpu.memref_slice %arg4[%dma_wait3A_29, %dma_wait3A_30, %dma_wait3A_34, %dma_wait3A_35] : memref<4x6400x8x128xf32, #tpu.memory_space<hbm>> -> memref<1x1x8x128xf32, #tpu.memory_space<hbm>>
    %dma_wait3A_37 = tpu.memref_squeeze %dma_wait3A_36 : memref<1x1x8x128xf32, #tpu.memory_space<hbm>> -> memref<8x128xf32, #tpu.memory_space<hbm>>
    %dma_wait3A_38 = arith.constant 0 : i32
    %dma_wait3A_39 = arith.constant 0 : i32
    %dma_wait3A_40 = tpu.memref_slice %arg4[%dma_wait3A_29, %dma_wait3A_30, %dma_wait3A_38, %dma_wait3A_39] : memref<4x6400x8x128xf32, #tpu.memory_space<hbm>> -> memref<1x1x8x128xf32, #tpu.memory_space<hbm>>
    %dma_wait3A_41 = tpu.memref_squeeze %dma_wait3A_40 : memref<1x1x8x128xf32, #tpu.memory_space<hbm>> -> memref<8x128xf32, #tpu.memory_space<hbm>>
    %dma_wait3A_42 = arith.constant 8 : i32
    %dma_wait3A_43 = arith.constant 0 : i32
    %dma_wait3A_44 = tpu.memref_slice %arg8[%dma_wait3A_42, %dma_wait3A_43] : memref<32x128xf32, #tpu.memory_space<vmem>> -> memref<8x128xf32, #tpu.memory_space<vmem>>
    tpu.wait_dma2 semaphore(%arg12 : memref<!tpu.dma_semaphore, #tpu.memory_space<semaphore_mem>>) src(%dma_wait3A_44 : memref<8x128xf32, #tpu.memory_space<vmem>>) dst(%dma_wait3A_41 : memref<8x128xf32, #tpu.memory_space<hbm>>)
    %dma_wait3A_45 = arith.constant 2 : i32
    %dma_wait3A_46 = arith.constant 0 : i32
    %dma_wait3A_47 = arith.constant 16 : i32
    %dma_wait3A_48 = arith.constant 0 : i32
    %dma_wait3A_49 = tpu.memref_slice %arg8[%dma_wait3A_47, %dma_wait3A_48] : memref<32x128xf32, #tpu.memory_space<vmem>> -> memref<8x128xf32, #tpu.memory_space<vmem>>
    %dma_wait3A_50 = arith.constant 0 : i32
    %dma_wait3A_51 = arith.constant 0 : i32
    %dma_wait3A_52 = tpu.memref_slice %arg4[%dma_wait3A_45, %dma_wait3A_46, %dma_wait3A_50, %dma_wait3A_51] : memref<4x6400x8x128xf32, #tpu.memory_space<hbm>> -> memref<1x1x8x128xf32, #tpu.memory_space<hbm>>
    %dma_wait3A_53 = tpu.memref_squeeze %dma_wait3A_52 : memref<1x1x8x128xf32, #tpu.memory_space<hbm>> -> memref<8x128xf32, #tpu.memory_space<hbm>>
    %dma_wait3A_54 = arith.constant 0 : i32
    %dma_wait3A_55 = arith.constant 0 : i32
    %dma_wait3A_56 = tpu.memref_slice %arg4[%dma_wait3A_45, %dma_wait3A_46, %dma_wait3A_54, %dma_wait3A_55] : memref<4x6400x8x128xf32, #tpu.memory_space<hbm>> -> memref<1x1x8x128xf32, #tpu.memory_space<hbm>>
    %dma_wait3A_57 = tpu.memref_squeeze %dma_wait3A_56 : memref<1x1x8x128xf32, #tpu.memory_space<hbm>> -> memref<8x128xf32, #tpu.memory_space<hbm>>
    %dma_wait3A_58 = arith.constant 16 : i32
    %dma_wait3A_59 = arith.constant 0 : i32
    %dma_wait3A_60 = tpu.memref_slice %arg8[%dma_wait3A_58, %dma_wait3A_59] : memref<32x128xf32, #tpu.memory_space<vmem>> -> memref<8x128xf32, #tpu.memory_space<vmem>>
    tpu.wait_dma2 semaphore(%arg12 : memref<!tpu.dma_semaphore, #tpu.memory_space<semaphore_mem>>) src(%dma_wait3A_60 : memref<8x128xf32, #tpu.memory_space<vmem>>) dst(%dma_wait3A_57 : memref<8x128xf32, #tpu.memory_space<hbm>>)
    %dma_wait3A_61 = arith.constant 3 : i32
    %dma_wait3A_62 = arith.constant 0 : i32
    %dma_wait3A_63 = arith.constant 24 : i32
    %dma_wait3A_64 = arith.constant 0 : i32
    %dma_wait3A_65 = tpu.memref_slice %arg8[%dma_wait3A_63, %dma_wait3A_64] : memref<32x128xf32, #tpu.memory_space<vmem>> -> memref<8x128xf32, #tpu.memory_space<vmem>>
    %dma_wait3A_66 = arith.constant 0 : i32
    %dma_wait3A_67 = arith.constant 0 : i32
    %dma_wait3A_68 = tpu.memref_slice %arg4[%dma_wait3A_61, %dma_wait3A_62, %dma_wait3A_66, %dma_wait3A_67] : memref<4x6400x8x128xf32, #tpu.memory_space<hbm>> -> memref<1x1x8x128xf32, #tpu.memory_space<hbm>>
    %dma_wait3A_69 = tpu.memref_squeeze %dma_wait3A_68 : memref<1x1x8x128xf32, #tpu.memory_space<hbm>> -> memref<8x128xf32, #tpu.memory_space<hbm>>
    %dma_wait3A_70 = arith.constant 0 : i32
    %dma_wait3A_71 = arith.constant 0 : i32
    %dma_wait3A_72 = tpu.memref_slice %arg4[%dma_wait3A_61, %dma_wait3A_62, %dma_wait3A_70, %dma_wait3A_71] : memref<4x6400x8x128xf32, #tpu.memory_space<hbm>> -> memref<1x1x8x128xf32, #tpu.memory_space<hbm>>
    %dma_wait3A_73 = tpu.memref_squeeze %dma_wait3A_72 : memref<1x1x8x128xf32, #tpu.memory_space<hbm>> -> memref<8x128xf32, #tpu.memory_space<hbm>>
    %dma_wait3A_74 = arith.constant 24 : i32
    %dma_wait3A_75 = arith.constant 0 : i32
    %dma_wait3A_76 = tpu.memref_slice %arg8[%dma_wait3A_74, %dma_wait3A_75] : memref<32x128xf32, #tpu.memory_space<vmem>> -> memref<8x128xf32, #tpu.memory_space<vmem>>
    tpu.wait_dma2 semaphore(%arg12 : memref<!tpu.dma_semaphore, #tpu.memory_space<semaphore_mem>>) src(%dma_wait3A_76 : memref<8x128xf32, #tpu.memory_space<vmem>>) dst(%dma_wait3A_73 : memref<8x128xf32, #tpu.memory_space<hbm>>)
    %dma_wait3A_77 = arith.constant 0 : i32
    %dma_wait3A_78 = arith.constant 0 : i32
    %dma_wait3A_79 = arith.constant 0 : i32
    %dma_wait3A_80 = arith.constant 0 : i32
    %dma_wait3A_81 = tpu.memref_slice %arg9[%dma_wait3A_79, %dma_wait3A_80] : memref<32x128xf32, #tpu.memory_space<vmem>> -> memref<8x128xf32, #tpu.memory_space<vmem>>
    %dma_wait3A_82 = arith.constant 0 : i32
    %dma_wait3A_83 = arith.constant 0 : i32
    %dma_wait3A_84 = tpu.memref_slice %arg4[%dma_wait3A_77, %dma_wait3A_78, %dma_wait3A_82, %dma_wait3A_83] : memref<4x6400x8x128xf32, #tpu.memory_space<hbm>> -> memref<1x1x8x128xf32, #tpu.memory_space<hbm>>
    %dma_wait3A_85 = tpu.memref_squeeze %dma_wait3A_84 : memref<1x1x8x128xf32, #tpu.memory_space<hbm>> -> memref<8x128xf32, #tpu.memory_space<hbm>>
    %dma_wait3A_86 = arith.constant 0 : i32
    %dma_wait3A_87 = arith.constant 0 : i32
    %dma_wait3A_88 = tpu.memref_slice %arg4[%dma_wait3A_77, %dma_wait3A_78, %dma_wait3A_86, %dma_wait3A_87] : memref<4x6400x8x128xf32, #tpu.memory_space<hbm>> -> memref<1x1x8x128xf32, #tpu.memory_space<hbm>>
    %dma_wait3A_89 = tpu.memref_squeeze %dma_wait3A_88 : memref<1x1x8x128xf32, #tpu.memory_space<hbm>> -> memref<8x128xf32, #tpu.memory_space<hbm>>
    %dma_wait3A_90 = arith.constant 0 : i32
    %dma_wait3A_91 = arith.constant 0 : i32
    %dma_wait3A_92 = tpu.memref_slice %arg9[%dma_wait3A_90, %dma_wait3A_91] : memref<32x128xf32, #tpu.memory_space<vmem>> -> memref<8x128xf32, #tpu.memory_space<vmem>>
    tpu.wait_dma2 semaphore(%arg13 : memref<!tpu.dma_semaphore, #tpu.memory_space<semaphore_mem>>) src(%dma_wait3A_92 : memref<8x128xf32, #tpu.memory_space<vmem>>) dst(%dma_wait3A_89 : memref<8x128xf32, #tpu.memory_space<hbm>>)
    %dma_wait3A_93 = arith.constant 1 : i32
    %dma_wait3A_94 = arith.constant 0 : i32
    %dma_wait3A_95 = arith.constant 8 : i32
    %dma_wait3A_96 = arith.constant 0 : i32
    %dma_wait3A_97 = tpu.memref_slice %arg9[%dma_wait3A_95, %dma_wait3A_96] : memref<32x128xf32, #tpu.memory_space<vmem>> -> memref<8x128xf32, #tpu.memory_space<vmem>>
    %dma_wait3A_98 = arith.constant 0 : i32
    %dma_wait3A_99 = arith.constant 0 : i32
    %dma_wait3A_100 = tpu.memref_slice %arg4[%dma_wait3A_93, %dma_wait3A_94, %dma_wait3A_98, %dma_wait3A_99] : memref<4x6400x8x128xf32, #tpu.memory_space<hbm>> -> memref<1x1x8x128xf32, #tpu.memory_space<hbm>>
    %dma_wait3A_101 = tpu.memref_squeeze %dma_wait3A_100 : memref<1x1x8x128xf32, #tpu.memory_space<hbm>> -> memref<8x128xf32, #tpu.memory_space<hbm>>
    %dma_wait3A_102 = arith.constant 0 : i32
    %dma_wait3A_103 = arith.constant 0 : i32
    %dma_wait3A_104 = tpu.memref_slice %arg4[%dma_wait3A_93, %dma_wait3A_94, %dma_wait3A_102, %dma_wait3A_103] : memref<4x6400x8x128xf32, #tpu.memory_space<hbm>> -> memref<1x1x8x128xf32, #tpu.memory_space<hbm>>
    %dma_wait3A_105 = tpu.memref_squeeze %dma_wait3A_104 : memref<1x1x8x128xf32, #tpu.memory_space<hbm>> -> memref<8x128xf32, #tpu.memory_space<hbm>>
    %dma_wait3A_106 = arith.constant 8 : i32
    %dma_wait3A_107 = arith.constant 0 : i32
    %dma_wait3A_108 = tpu.memref_slice %arg9[%dma_wait3A_106, %dma_wait3A_107] : memref<32x128xf32, #tpu.memory_space<vmem>> -> memref<8x128xf32, #tpu.memory_space<vmem>>
    tpu.wait_dma2 semaphore(%arg13 : memref<!tpu.dma_semaphore, #tpu.memory_space<semaphore_mem>>) src(%dma_wait3A_108 : memref<8x128xf32, #tpu.memory_space<vmem>>) dst(%dma_wait3A_105 : memref<8x128xf32, #tpu.memory_space<hbm>>)
    %dma_wait3A_109 = arith.constant 2 : i32
    %dma_wait3A_110 = arith.constant 0 : i32
    %dma_wait3A_111 = arith.constant 16 : i32
    %dma_wait3A_112 = arith.constant 0 : i32
    %dma_wait3A_113 = tpu.memref_slice %arg9[%dma_wait3A_111, %dma_wait3A_112] : memref<32x128xf32, #tpu.memory_space<vmem>> -> memref<8x128xf32, #tpu.memory_space<vmem>>
    %dma_wait3A_114 = arith.constant 0 : i32
    %dma_wait3A_115 = arith.constant 0 : i32
    %dma_wait3A_116 = tpu.memref_slice %arg4[%dma_wait3A_109, %dma_wait3A_110, %dma_wait3A_114, %dma_wait3A_115] : memref<4x6400x8x128xf32, #tpu.memory_space<hbm>> -> memref<1x1x8x128xf32, #tpu.memory_space<hbm>>
    %dma_wait3A_117 = tpu.memref_squeeze %dma_wait3A_116 : memref<1x1x8x128xf32, #tpu.memory_space<hbm>> -> memref<8x128xf32, #tpu.memory_space<hbm>>
    %dma_wait3A_118 = arith.constant 0 : i32
    %dma_wait3A_119 = arith.constant 0 : i32
    %dma_wait3A_120 = tpu.memref_slice %arg4[%dma_wait3A_109, %dma_wait3A_110, %dma_wait3A_118, %dma_wait3A_119] : memref<4x6400x8x128xf32, #tpu.memory_space<hbm>> -> memref<1x1x8x128xf32, #tpu.memory_space<hbm>>
    %dma_wait3A_121 = tpu.memref_squeeze %dma_wait3A_120 : memref<1x1x8x128xf32, #tpu.memory_space<hbm>> -> memref<8x128xf32, #tpu.memory_space<hbm>>
    %dma_wait3A_122 = arith.constant 16 : i32
    %dma_wait3A_123 = arith.constant 0 : i32
    %dma_wait3A_124 = tpu.memref_slice %arg9[%dma_wait3A_122, %dma_wait3A_123] : memref<32x128xf32, #tpu.memory_space<vmem>> -> memref<8x128xf32, #tpu.memory_space<vmem>>
    tpu.wait_dma2 semaphore(%arg13 : memref<!tpu.dma_semaphore, #tpu.memory_space<semaphore_mem>>) src(%dma_wait3A_124 : memref<8x128xf32, #tpu.memory_space<vmem>>) dst(%dma_wait3A_121 : memref<8x128xf32, #tpu.memory_space<hbm>>)
    %dma_wait3A_125 = arith.constant 3 : i32
    %dma_wait3A_126 = arith.constant 0 : i32
    %dma_wait3A_127 = arith.constant 24 : i32
    %dma_wait3A_128 = arith.constant 0 : i32
    %dma_wait3A_129 = tpu.memref_slice %arg9[%dma_wait3A_127, %dma_wait3A_128] : memref<32x128xf32, #tpu.memory_space<vmem>> -> memref<8x128xf32, #tpu.memory_space<vmem>>
    %dma_wait3A_130 = arith.constant 0 : i32
    %dma_wait3A_131 = arith.constant 0 : i32
    %dma_wait3A_132 = tpu.memref_slice %arg4[%dma_wait3A_125, %dma_wait3A_126, %dma_wait3A_130, %dma_wait3A_131] : memref<4x6400x8x128xf32, #tpu.memory_space<hbm>> -> memref<1x1x8x128xf32, #tpu.memory_space<hbm>>
    %dma_wait3A_133 = tpu.memref_squeeze %dma_wait3A_132 : memref<1x1x8x128xf32, #tpu.memory_space<hbm>> -> memref<8x128xf32, #tpu.memory_space<hbm>>
    %dma_wait3A_134 = arith.constant 0 : i32
    %dma_wait3A_135 = arith.constant 0 : i32
    %dma_wait3A_136 = tpu.memref_slice %arg4[%dma_wait3A_125, %dma_wait3A_126, %dma_wait3A_134, %dma_wait3A_135] : memref<4x6400x8x128xf32, #tpu.memory_space<hbm>> -> memref<1x1x8x128xf32, #tpu.memory_space<hbm>>
    %dma_wait3A_137 = tpu.memref_squeeze %dma_wait3A_136 : memref<1x1x8x128xf32, #tpu.memory_space<hbm>> -> memref<8x128xf32, #tpu.memory_space<hbm>>
    %dma_wait3A_138 = arith.constant 24 : i32
    %dma_wait3A_139 = arith.constant 0 : i32
    %dma_wait3A_140 = tpu.memref_slice %arg9[%dma_wait3A_138, %dma_wait3A_139] : memref<32x128xf32, #tpu.memory_space<vmem>> -> memref<8x128xf32, #tpu.memory_space<vmem>>
    tpu.wait_dma2 semaphore(%arg13 : memref<!tpu.dma_semaphore, #tpu.memory_space<semaphore_mem>>) src(%dma_wait3A_140 : memref<8x128xf32, #tpu.memory_space<vmem>>) dst(%dma_wait3A_137 : memref<8x128xf32, #tpu.memory_space<hbm>>)
    return
  }
}

</mosaic_0001>

<sc_bundles>
// kernel: kernel.3.cloned.1.call-start
scs
__scs_entry_jumppad:
0x0: {  	(pc) =	sbr.rel $0x88, $3  }
0x1: {  	(tag) =	ssettag $0x0;
	lr =	simm.s32 $0x1  }
0x2: {  	[smem:$0x3F9F] =	sst lr;
	_ =	strace $0xD0000000  }
0x3: {  	_ = 	snop  }
0x4: {  	_ = 	snop  }
0x5: {  	_ = 	snop  }
0x6: {  	_ = 	snop  }
0x7: {  	_ = 	snop  }
__scs_overlays_trampoline_lowered:
0x8: {  	[smem:$0x3FAE] =	sst s0  }
0x9: {  	[smem:$0x3FAF] =	sst s1  }
0xa: {  	[smem:$0x3FB0] =	sst s2  }
0xb: {  	[smem:$0x3FB1] =	sst s3  }
0xc: {  	[smem:$0x3FB2] =	sst s4  }
0xd: {  	[smem:$0x3FB3] =	sst s5  }
0xe: {  	[smem:$0x3FB4] =	sst s6  }
0xf: {  	[smem:$0x3FB5] =	sst s7  }
0x10: {  	[smem:$0x3FB6] =	sst s8  }
0x11: {  	[smem:$0x3FB7] =	sst s9;
	s0 =	simm.s32 @!p0 $0x0  }
0x12: {  	s1 =	sld [smem:$0x3F9D];
	s0 =	simm.s32 @p0 $0x1  }
0x13: {  	[smem:$0x3FB8] =	sst s0;
	s0 =	simm.s32 @!p1 $0x0  }
0x14: {  	s2 =	sld [smem:$0x3F9C];
	s0 =	simm.s32 @p1 $0x1  }
0x15: {  	[smem:$0x3FB9] =	sst s0;
	s0 =	simm.s32 @!p2 $0x0  }
0x16: {  	s3 =	sld [smem:$0x3FDB];
	s0 =	simm.s32 @p2 $0x1  }
0x17: {  	s4 =	simm.s32 $0x1BF5;
	[smem:$0x3FBB] =	sst s0  }
0x18: {  	s0 =	sld [smem:$0x3F9E];
	_ =	swait.ge [sflag:s4], $0x0  }
0x19: {  	s7 =	sld [smem:$0x3F9F]  }
0x1a: {  	s8 =	sadd.s32 $0xFFFFE003, lr  }
0x1b: {  	s9 =	sadd.s32 $0xFFFFFEF7, lr;
	s5 =	simm.s32 $0xFFFFFFFF;
	p2 =	slt.u32 s8, $0xFFFFF086  }
0x1c: {  	p1 =	slt.u32 s9, $0xF7A;
	s5 =	simm.s32 @!p2 $0x0  }
0x1d: {  	s5 =	simm.s32 @p1 $0x1;
	p0 =	seq.s32 s7, s2  }
0x1e: {  	s7 =	smul.u32 @!p0 $0xF7A, s2;
	p2 =	seq.s32 @!p0 s5, $0x0  }
0x1f: {  	s9 =	smul.u32 $0xF7A, s1;
	s8 =	simm.s32 @!p0 $0x1BF5;
	p2 =	por !p2, p0  }
0x20: {  	[sflag:s8] =	ssyncset.s32 @!p0 $0xFFFFF086;
	s6 =	sadd.s32 @!p0 s3, s7;
	s7 =	simm.s32 @!p0 $0x108  }
0x21: {  	s3 =	sadd.s32 s3, s9;
	s6 =	sadd.s32 @!p0 $0x88, s6;
	s7 =	simm.s32 @p2 $0x1082  }
0x22: {  	[simem:s7], [sflag:s8] =	dma.local @!p0 [hbm:s6], $0xF7A  }
0x23: {  	s9 =	sor.u32 $0xD0000000, s2;
	s6 =	simm.s32 $0x108;
	_ =	swait.ge @!p0 [sflag:s8], $0x0  }
0x24: {  	s3 =	sadd.s32 $0x88, s3;
	s6 =	simm.s32 @!p1 $0x1082;
	[sflag:s4] =	ssyncset.s32 $0xFFFFF086  }
0x25: {  	[simem:s6], [sflag:s4] =	dma.local [hbm:s3], $0xF7A  }
0x26: {  	[smem:$0x3F9F] =	sst s1;
	(tag) =	ssettag s2;
	_ =	strace s9  }
0x27: {  	s1 =	sld [smem:$0x3FAF]  }
0x28: {  	s2 =	sld [smem:$0x3FB0]  }
0x29: {  	s4 =	sld [smem:$0x3FB2]  }
0x2a: {  	p0 =	seq.s32 s5, $0x0;
	s5 =	sld [smem:$0x3FB3]  }
0x2b: {  	s6 =	sld [smem:$0x3FB4]  }
0x2c: {  	s7 =	sld [smem:$0x3FB5]  }
0x2d: {  	s3 =	simm.s32 $0x108;
	s8 =	sld [smem:$0x3FB6]  }
0x2e: {  	s3 =	simm.s32 @!p0 $0x1082;
	s9 =	sld [smem:$0x3FB7]  }
0x2f: {  	lr =	sadd.s32 s0, s3;
	s0 =	sld [smem:$0x3FAE]  }
0x30: {  	s3 =	sld [smem:$0x3FB1]  }
0x31: {  	[smem:$0x3FBA] =	sst s10  }
0x32: {  	s10 =	sld [smem:$0x3FB8];
	_ =	sdelay $0x3  }
0x33: {  	p0 =	seq.s32 s10, $0x1;
	s10 =	sld [smem:$0x3FBA];
	_ =	sdelay $0x3  }
0x34: {  	[smem:$0x3FBA] =	sst s10  }
0x35: {  	s10 =	sld [smem:$0x3FB9];
	_ =	sdelay $0x3  }
0x36: {  	p1 =	seq.s32 s10, $0x1;
	s10 =	sld [smem:$0x3FBA];
	_ =	sdelay $0x3  }
0x37: {  	[smem:$0x3FBA] =	sst s10  }
0x38: {  	s10 =	sld [smem:$0x3FBB]  }
0x39: {  	_ = 	snop;
	(pc) =	sbr.ind lr, $3  }
0x3a: {  	_ = 	snop  }
0x3b: {  	_ = 	snop  }
0x3c: {  	p2 =	seq.s32 s10, $0x1;
	s10 =	sld [smem:$0x3FBA]  }
0x3d: {  	_ =	shalt  }
0x3e: {  	_ =	shalt  }
0x3f: {  	_ =	shalt  }
0x40: {  	_ =	shalt  }
0x41: {  	_ =	shalt  }
0x42: {  	_ =	shalt  }
0x43: {  	_ =	shalt  }
0x44: {  	_ =	shalt  }
0x45: {  	_ =	shalt  }
0x46: {  	_ =	shalt  }
0x47: {  	_ =	shalt  }
0x48: {  	_ =	shalt  }
0x49: {  	_ =	shalt  }
0x4a: {  	_ =	shalt  }
0x4b: {  	_ =	shalt  }
0x4c: {  	_ =	shalt  }
0x4d: {  	_ =	shalt  }
0x4e: {  	_ =	shalt  }
0x4f: {  	_ =	shalt  }
0x50: {  	_ =	shalt  }
0x51: {  	_ =	shalt  }
0x52: {  	_ =	shalt  }
0x53: {  	_ =	shalt  }
0x54: {  	_ =	shalt  }
0x55: {  	_ =	shalt  }
0x56: {  	_ =	shalt  }
0x57: {  	_ =	shalt  }
0x58: {  	_ =	shalt  }
0x59: {  	_ =	shalt  }
0x5a: {  	_ =	shalt  }
0x5b: {  	_ =	shalt  }
0x5c: {  	_ =	shalt  }
0x5d: {  	_ =	shalt  }
0x5e: {  	_ =	shalt  }
0x5f: {  	_ =	shalt  }
0x60: {  	_ =	shalt  }
0x61: {  	_ =	shalt  }
0x62: {  	_ =	shalt  }
0x63: {  	_ =	shalt  }
0x64: {  	_ =	shalt  }
0x65: {  	_ =	shalt  }
0x66: {  	_ =	shalt  }
0x67: {  	_ =	shalt  }
0x68: {  	_ =	shalt  }
0x69: {  	_ =	shalt  }
0x6a: {  	_ =	shalt  }
0x6b: {  	_ =	shalt  }
0x6c: {  	_ =	shalt  }
0x6d: {  	_ =	shalt  }
0x6e: {  	_ =	shalt  }
0x6f: {  	_ =	shalt  }
0x70: {  	_ =	shalt  }
0x71: {  	_ =	shalt  }
0x72: {  	_ =	shalt  }
0x73: {  	_ =	shalt  }
0x74: {  	_ =	shalt  }
0x75: {  	_ =	shalt  }
0x76: {  	_ =	shalt  }
0x77: {  	_ =	shalt  }
0x78: {  	_ =	shalt  }
0x79: {  	_ =	shalt  }
0x7a: {  	_ =	shalt  }
0x7b: {  	_ =	shalt  }
0x7c: {  	_ =	shalt  }
0x7d: {  	_ =	shalt  }
0x7e: {  	_ =	shalt  }
0x7f: {  	_ =	shalt  }
0x80: {  	_ =	shalt  }
0x81: {  	_ =	shalt  }
0x82: {  	_ =	shalt  }
0x83: {  	_ =	shalt  }
0x84: {  	_ =	shalt  }
0x85: {  	_ =	shalt  }
0x86: {  	_ =	shalt  }
0x87: {  	_ =	shalt  }
.Lfunc_end0:
.L_simem_size_0:
called_computation_lowered:
.L_overlay_start_0:
0x88: {  	s2 =	sld [smem:$0x3FD9]  }
0x89: {  	s3 =	sld [smem:$0x3FFE];
	_ =	sdelay $0x1  }
0x8a: {  	s1 =	srdreg.scid  }
0x8b: {  	s0 =	sand.u32 $0x1, s1  }
0x8c: {  	s17 =	sshll.u32 s0, $0xA;
	s2 =	sadd.s32 s3, s2  }
0x8d: {  	s2 =	sadd.s32 s2, s17  }
0x8e: {  	[smem:$0x3FC6] =	sst s2  }
0x8f: {  	_ = 	snop  }
0x90: {  	s2 =	sld [smem:$0x3FD0];
	(tm) =	ssettm $0x1  }
0x91: {  	s18 =	sld [smem:$0x3FFB];
	_ =	sdelay $0x3  }
0x92: {  	_ =	strace s18  }
0x93: {  	s3 =	sld [smem:$0x3FFC];
	_ =	sdelay $0x3  }
0x94: {  	_ =	strace s3  }
0x95: {  	s3 =	sld [smem:$0x3FFD];
	_ =	sdelay $0x3  }
0x96: {  	_ =	strace s3  }
0x97: {  	_ =	strace $0x8FFFFFFF  }
0x98: {  	s19 =	sld [smem:$0x3FDB];
	_ =	sdelay $0x1  }
0x99: {  	s4 =	simm.s32 $_scs_section_size  }
0x9a: {  	s5 =	simm.s32 $_size__tile_overlayer_lowered;
	s6 =	simm.s32 $_tile_overlayer_lowered  }
0x9b: {  	s22 =	simm.s32 $0x1BFF;
	s21 =	sshll.u32 s6, $0x1;
	s3 =	sadd.s32 s4, s19  }
0x9c: {  	s7 =	simm.s32 $0x0;
	s20 =	sshll.u32 s5, $0x1;
	s5 =	sadd.s32 s21, s3  }
0x9d: {  	[timem:s7], [sflag:s22] =	dma.local [hbm:s5], s20  }
0x9e: {  	_ =	swait.ge [sflag:s22], s20  }
0x9f: {  	s4 =	ssub.s32 $0x0, s20;
	[sflag:s22] =	ssyncset.done $0x0  }
0xa0: {  	[sflag:s22] =	ssyncadd.s32 s4;
	_ =	sdelay $0x1  }
0xa1: {  	s23 =	simm.s32 $0x1B8B  }
0xa2: {  	_ =	swait.ge [sflag:s23], $0x1  }
0xa3: {  	[sflag:s23] =	ssyncset.done $0x0  }
0xa4: {  	s25 =	simm.s32 $0x1B8E;
	s24 =	sld [smem:$0x3FFE];
	[sflag:s23] =	ssyncadd.s32 $0xFFFFFFFF  }
0xa5: {  	s26 =	simm.s32 $execute0_lowered;
	[smem:$0x3FD2] =	sst s25  }
0xa6: {  	s5 =	sshll.u32 s26, $0x1;
	_ =	strace $0x80000046;
	[dreg:$0x1] =	wrdreg $0xFFFFFFFF  }
0xa7: {  	s28 =	simm.s32 $_size_execute0_lowered;
	s3 =	sadd.s32 s3, s5;
	[dreg:$0x0] =	wrdreg $0x0  }
0xa8: {  	s5 =	sshll.u32 s28, $0x1;
	[dreg:$0x2] =	wrdreg s3  }
0xa9: {  	[dreg:$0x3] =	wrdreg s5  }
0xaa: {  	[dreg:$0x4] =	wrdreg $0xC0  }
0xab: {  	_ =	task [dreg:s7], $0x5FFFF  }
0xac: {  	[dreg:$0x1] =	wrdreg $0xFFFFFFFF  }
0xad: {  	[dreg:$0x0] =	wrdreg $0x60  }
0xae: {  	[dreg:$0x2] =	wrdreg s24  }
0xaf: {  	[dreg:$0x3] =	wrdreg s2  }
0xb0: {  	[dreg:$0x4] =	wrdreg $0x9  }
0xb1: {  	_ =	task.clear_ibuf [dreg:s7], $0x5FFFF;
	_ =	strace $0x90000046  }
0xb2: {  	s29 =	simm.s32 $0x9;
	_ =	strace $0x80000048  }
0xb3: {  	_ =	swait.ge [sflag:s29], $0x1  }
0xb4: {  	[sflag:s29] =	ssyncadd.s32 $0xFFFFFFFF  }
0xb5: {  	_ =	strace $0x90000048  }
0xb6: {  	_ =	sfence  }
0xb7: {  	s30 =	sld [smem:$0x0];
	_ =	sdelay $0x2  }
0xb8: {  	s31 =	sshll.u32 s1, $0xD;
	s1 =	sshrl.u32 s1, $0x2  }
0xb9: {  	s3 =	sand.u32 $0x4000, s31;
	s1 =	sadd.s32 s1, s30  }
0xba: {  	s0 =	sor.u32 s3, s0;
	s1 =	sshll.u32 s1, $0x11  }
0xbb: {  	s0 =	sor.u32 s1, s0  }
0xbc: {  	s0 =	sadd.s32 $0x8F2B, s0  }
0xbd: {  	[sflag:s0] =	ssyncadd.remote.s32 $0x1  }
0xbe: {  	_ =	sfence.sel $0xFFFF  }
0xbf: {  	[dreg:$0x0] =	wrdreg $0xFFFFFFFF;
	(pc) =	sbr.abs _section_cstart, $3  }
0xc0: {  	[dreg:$0x1] =	wrdreg $0xFFFFFFFF  }
0xc1: {  	_ =	task.clear_ibuf [dreg:s7], $0x2FFFF;
	_ =	strace $0x9FFFFFFF  }
0xc2: {  	(tm) =	ssettm $0x7FFFFFFF  }
0xc3: {  	_ =	shalt  }
tec
execute0_lowered:
.L_overlay_start_1:
0x0: {  	(tag) =	ssettag $0x1  }
0x1: {  	v0 =	vimm.s32 $0xFEDCBA9;
	v1 =	vimm.s32 $0x87654321  }
0x2: {  	v2 =	vimm.s32 $0x10FEDCBA;
	v3 =	vimm.s32 $0x98765432;
	v4 =	vimm.s32 $0x210FEDCB  }
0x3: {  	v5 =	vimm.s32 $0xA9876543;
	v9 =	vimm.s32 $0x3210FEDC;
	v10 =	vimm.s32 $0xBA987654  }
0x4: {  	v17 =	vimm.s32 $0x43210FED;
	v32 =	vimm.s32 $0xCBA98765;
	v33 =	vimm.s32 $0x543210FE  }
0x5: {  	v11 =	vimm.s32 $0xDCBA9876;
	v12 =	vimm.s32 $0x6543210F;
	v13 =	vimm.s32 $0xEDCBA987  }
0x6: {  	v19 =	vimm.s32 $0x76543210;
	vm12 =	vcmask $0x300;
	v37 =	vimm.s32 $0x787  }
0x7: {  	vm14 =	vcmask $0x704;
	vm15 =	vcmask $0xB08;
	vm13 =	vcmask $0xF0C  }
0x8: {  	vm11 =	vcmask $0x1310;
	vm10 =	vcmask $0x1714;
	vm9 =	vcmask $0x1B18  }
0x9: {  	vm8 =	vcmask $0x1F1C;
	vm7 =	vcmask $0x2320;
	vm6 =	vcmask $0x2724  }
0xa: {  	vm5 =	vcmask $0x2B28;
	vm4 =	vcmask $0x2F2C;
	vm3 =	vcmask $0x3330  }
0xb: {  	vm1 =	vcmask $0x3734;
	vm2 =	vcmask $0x3B38;
	v46 =	vimm.s32 $0x7  }
0xc: {  	v47 =	vimm.s32 $0x87;
	v52 =	vimm.s32 $0x107;
	v53 =	vimm.s32 $0x187  }
0xd: {  	v56 =	vimm.s32 $0x207;
	v57 =	vimm.s32 $0x287;
	v58 =	vimm.s32 $0x307  }
0xe: {  	v59 =	vimm.s32 $0x387;
	v60 =	vimm.s32 $0x407;
	v61 =	vimm.s32 $0x487  }
0xf: {  	v0 =	vunpack.c.l.s4.s8 v0;
	v1 =	vunpack.c.l.s4.s8 v1;
	v2 =	vunpack.c.l.s4.s8 v2  }
0x10: {  	v3 =	vunpack.c.l.s4.s8 v3;
	v4 =	vunpack.c.l.s4.s8 v4;
	v5 =	vunpack.c.l.s4.s8 v5  }
0x11: {  	v9 =	vunpack.c.l.s4.s8 v9;
	v10 =	vunpack.c.l.s4.s8 v10;
	v11 =	vunpack.c.l.s4.s8 v11  }
0x12: {  	v12 =	vunpack.c.l.s4.s8 v12;
	v13 =	vunpack.c.l.s4.s8 v13;
	v34 =	vunpack.c.l.s4.s8 v19  }
0x13: {  	v0 =	vunpack.c.0.s8.s32 v0;
	v1 =	vunpack.c.0.s8.s32 v1;
	v2 =	vunpack.c.0.s8.s32 v2  }
0x14: {  	v3 =	vunpack.c.0.s8.s32 v3;
	v4 =	vunpack.c.0.s8.s32 v4;
	v5 =	vunpack.c.0.s8.s32 v5  }
0x15: {  	v62 =	vunpack.c.0.s8.s32 v9;
	v63 =	vunpack.c.0.s8.s32 v10;
	v9 =	vunpack.c.l.s4.s8 v32  }
0x16: {  	v10 =	vunpack.c.l.s4.s8 v33;
	v11 =	vunpack.c.0.s8.s32 v11;
	v12 =	vunpack.c.0.s8.s32 v12  }
0x17: {  	v13 =	vunpack.c.0.s8.s32 v13;
	v6 =	vcombine.low v1, v0;
	v7 =	vcombine.low v3, v2  }
0x18: {  	v33 =	vimm.s32 $0x16151413;
	v8 =	vcombine.low v5, v4;
	v14 =	vcombine.low v63, v62  }
0x19: {  	v9 =	vunpack.c.0.s8.s32 v9;
	v18 =	vcombine.low v13, v12;
	v0 =	vcombine.low v0, v1  }
0x1a: {  	v10 =	vunpack.c.0.s8.s32 v10;
	v2 =	vcombine.low v2, v3;
	v41 =	vcombine.low v4, v5  }
0x1b: {  	v42 =	vcombine.low v62, v63;
	v45 =	vcombine.low v12, v13;
	v62 =	vimm.s32 $0x507  }
0x1c: {  	v63 =	vimm.s32 $0x587;
	v4 =	vimm.s32 $0x607;
	v5 =	vimm.s32 $0x687  }
0x1d: {  	v12 =	vimm.s32 $0x1D1C1B1A;
	v13 =	vimm.s32 $0x11101F1E;
	v6 =	vand.u32 $0xF, v6  }
0x1e: {  	v31 =	vand.u32 $0xF, v7;
	v48 =	vand.u32 $0xF, v8;
	v8 =	vunpack.c.l.s4.s8 v17  }
0x1f: {  	v16 =	vcombine.low v11, v10;
	v17 =	vimm.s32 $0xFEDCBA98;
	v49 =	vand.u32 $0xF, v14  }
0x20: {  	v35 =	vand.u32 $0xF, v18;
	v14 =	vunpack.c.0.s8.s32 v34;
	v32 =	vand.u32 $0xF, v0  }
0x21: {  	v44 =	vcombine.low v10, v11;
	v55 =	vand.u32 $0xF, v45;
	v7 =	vimm.s32 $0x1C1B1A19  }
0x22: {  	v10 =	vimm.s32 $0x14131211;
	v11 =	vimm.s32 $0x18171615;
	v34 =	vimm.s32 $0x1A191817  }
0x23: {  	[tilespmem:$0x1FCE0] =	vst v6;
	v17 =	vunpack.c.l.s4.s8 v17;
	v6 =	vimm.s32 $0x707;
	v3 =	vunpack.c.0.s8.s32 v7  }
0x24: {  	[tilespmem:$0x1FCF0] =	vst v35;
	v7 =	vunpack.c.0.s8.s32 v12;
	v35 =	vunpack.c.0.s8.s32 v34;
	v8 =	vunpack.c.0.s8.s32 v8  }
0x25: {  	v51 =	vand.u32 $0xF, v16;
	v16 =	vsel vm12, $0x0, v37;
	v37 =	vand.u32 $0xF, v2  }
0x26: {  	v54 =	vand.u32 $0xF, v44;
	v2 =	vsel vm12, $0x180, v52;
	v44 =	vimm.s32 $0x17161514  }
0x27: {  	v52 =	vimm.s32 $0x1B1A1918;
	v36 =	vunpack.c.0.s8.s32 v17;
	v38 =	vsel vm14, $0x81, v16  }
0x28: {  	v2 =	vsel vm14, $0x201, v2;
	v16 =	vimm.s32 $0x1E1D1C1B;
	v17 =	vimm.s32 $0x1211101F  }
0x29: {  	v15 =	vcombine.low v9, v8;
	v39 =	vsel vm15, $0x102, v38;
	v38 =	vand.u32 $0xF, v41  }
0x2a: {  	v43 =	vcombine.low v8, v9;
	v2 =	vsel vm15, $0x282, v2;
	v8 =	vimm.s32 $0x101F1E1D  }
0x2b: {  	v9 =	vimm.s32 $0xF87;
	v12 =	vunpack.c.0.s8.s32 v17;
	v17 =	vimm.s32 $0xA07  }
0x2c: {  	v1 =	vsel vm13, $0x183, v39;
	v2 =	vsel vm13, $0x303, v2;
	v39 =	vimm.s32 $0x13121110  }
0x2d: {  	v50 =	vand.u32 $0xF, v15;
	v15 =	vand.u32 $0xF, v36;
	v40 =	vsel vm11, $0x204, v1  }
0x2e: {  	v41 =	vand.u32 $0xF, v43;
	v1 =	vsel vm12, $0x100, v47;
	v2 =	vsel vm11, $0x384, v2  }
0x2f: {  	v36 =	vimm.s32 $0x1F1E1D1C;
	v43 =	vunpack.c.0.s8.s32 v39;
	v14 =	vcombine.low v15, v14  }
0x30: {  	v0 =	vsel vm10, $0x285, v40;
	v40 =	vand.u32 $0xF, v42;
	v1 =	vsel vm14, $0x181, v1  }
0x31: {  	v2 =	vsel vm10, $0x405, v2;
	v15 =	vimm.s32 $0x19181716;
	v0 =	vsel vm9, $0x306, v0  }
0x32: {  	v1 =	vsel vm15, $0x202, v1;
	v2 =	vsel vm9, $0x486, v2;
	v0 =	vsel vm8, $0x387, v0  }
0x33: {  	[tilespmem:$0x1FD40] =	vst v43;
	v43 =	vimm.s32 $0xB07;
	v1 =	vsel vm13, $0x283, v1;
	v0 =	vsel vm7, $0x400, v0  }
0x34: {  	[tilespmem:$0x1FD00] =	vst v14;
	v2 =	vsel vm8, $0x507, v2;
	v14 =	vimm.s32 $0x15141312;
	v0 =	vsel vm6, $0x481, v0  }
0x35: {  	v1 =	vsel vm11, $0x304, v1;
	v2 =	vsel vm7, $0x580, v2;
	v0 =	vsel vm5, $0x502, v0  }
0x36: {  	v1 =	vsel vm10, $0x385, v1;
	v2 =	vsel vm6, $0x601, v2;
	v0 =	vsel vm4, $0x583, v0  }
0x37: {  	v1 =	vsel vm9, $0x406, v1;
	v2 =	vsel vm5, $0x682, v2;
	v0 =	vsel vm3, $0x604, v0  }
0x38: {  	v1 =	vsel vm8, $0x487, v1;
	v2 =	vsel vm4, $0x703, v2;
	v0 =	vsel vm1, $0x685, v0  }
0x39: {  	v1 =	vsel vm7, $0x500, v1;
	v24 =	vsel vm2, $0x706, v0;
	v0 =	vsel vm12, $0x80, v46  }
0x3a: {  	v2 =	vsel vm3, $0x784, v2;
	v1 =	vsel vm6, $0x581, v1;
	v0 =	vsel vm14, $0x101, v0  }
0x3b: {  	v2 =	vsel vm1, $0x5, v2;
	v1 =	vsel vm5, $0x602, v1;
	v0 =	vsel vm15, $0x182, v0  }
0x3c: {  	v27 =	vsel vm2, $0x86, v2;
	v2 =	vsel vm12, $0x300, v57;
	v0 =	vsel vm13, $0x203, v0  }
0x3d: {  	v1 =	vsel vm4, $0x683, v1;
	v2 =	vsel vm14, $0x381, v2;
	v0 =	vsel vm11, $0x284, v0  }
0x3e: {  	v1 =	vsel vm3, $0x704, v1;
	v2 =	vsel vm15, $0x402, v2;
	v0 =	vsel vm10, $0x305, v0  }
0x3f: {  	v1 =	vsel vm1, $0x785, v1;
	v2 =	vsel vm13, $0x483, v2;
	v0 =	vsel vm9, $0x386, v0  }
0x40: {  	v26 =	vsel vm2, $0x6, v1;
	v1 =	vsel vm12, $0x280, v56;
	v0 =	vsel vm8, $0x407, v0  }
0x41: {  	v2 =	vsel vm11, $0x504, v2;
	v1 =	vsel vm14, $0x301, v1;
	v0 =	vsel vm7, $0x480, v0  }
0x42: {  	v2 =	vsel vm10, $0x585, v2;
	v1 =	vsel vm15, $0x382, v1;
	v0 =	vsel vm6, $0x501, v0  }
0x43: {  	v2 =	vsel vm9, $0x606, v2;
	v1 =	vsel vm13, $0x403, v1;
	v0 =	vsel vm5, $0x582, v0  }
0x44: {  	v2 =	vsel vm8, $0x687, v2;
	v1 =	vsel vm11, $0x484, v1;
	v0 =	vsel vm4, $0x603, v0  }
0x45: {  	v2 =	vsel vm7, $0x700, v2;
	v1 =	vsel vm10, $0x505, v1;
	v0 =	vsel vm3, $0x684, v0  }
0x46: {  	v2 =	vsel vm6, $0x781, v2;
	v1 =	vsel vm9, $0x586, v1;
	v0 =	vsel vm1, $0x705, v0  }
0x47: {  	v2 =	vsel vm5, $0x2, v2;
	v25 =	vsel vm2, $0x786, v0;
	v0 =	vsel vm12, $0x200, v53  }
0x48: {  	v1 =	vsel vm8, $0x607, v1;
	v2 =	vsel vm4, $0x83, v2;
	v0 =	vsel vm14, $0x281, v0  }
0x49: {  	v1 =	vsel vm7, $0x680, v1;
	v2 =	vsel vm3, $0x104, v2;
	v0 =	vsel vm15, $0x302, v0  }
0x4a: {  	v1 =	vsel vm6, $0x701, v1;
	v2 =	vsel vm1, $0x185, v2;
	v0 =	vsel vm13, $0x383, v0  }
0x4b: {  	v1 =	vsel vm5, $0x782, v1;
	v47 =	vsel vm2, $0x206, v2;
	v0 =	vsel vm11, $0x404, v0  }
0x4c: {  	v2 =	vsel vm12, $0x480, v60;
	v53 =	vunpack.c.0.s8.s32 v52;
	v0 =	vsel vm10, $0x485, v0  }
0x4d: {  	v52 =	vimm.s32 $0xC07;
	v1 =	vsel vm4, $0x3, v1;
	v0 =	vsel vm9, $0x506, v0  }
0x4e: {  	v2 =	vsel vm14, $0x501, v2;
	v1 =	vsel vm3, $0x84, v1;
	v0 =	vsel vm8, $0x587, v0  }
0x4f: {  	v2 =	vsel vm15, $0x582, v2;
	v1 =	vsel vm1, $0x105, v1;
	v0 =	vsel vm7, $0x600, v0  }
0x50: {  	v2 =	vsel vm13, $0x603, v2;
	v46 =	vsel vm2, $0x186, v1;
	v0 =	vsel vm6, $0x681, v0  }
0x51: {  	v1 =	vsel vm12, $0x400, v59;
	v2 =	vsel vm11, $0x684, v2;
	v0 =	vsel vm5, $0x702, v0  }
0x52: {  	v1 =	vsel vm14, $0x481, v1;
	v2 =	vsel vm10, $0x705, v2;
	v0 =	vsel vm4, $0x783, v0  }
0x53: {  	v1 =	vsel vm15, $0x502, v1;
	v2 =	vsel vm9, $0x786, v2;
	v0 =	vsel vm3, $0x4, v0  }
0x54: {  	v1 =	vsel vm13, $0x583, v1;
	v2 =	vsel vm8, $0x7, v2;
	v0 =	vsel vm1, $0x85, v0  }
0x55: {  	v1 =	vsel vm11, $0x604, v1;
	v28 =	vsel vm2, $0x106, v0;
	v0 =	vsel vm12, $0x380, v58  }
0x56: {  	v2 =	vsel vm7, $0x80, v2;
	v1 =	vsel vm10, $0x685, v1;
	v0 =	vsel vm14, $0x401, v0  }
0x57: {  	v2 =	vsel vm6, $0x101, v2;
	v1 =	vsel vm9, $0x706, v1;
	v0 =	vsel vm15, $0x482, v0  }
0x58: {  	v2 =	vsel vm5, $0x182, v2;
	v1 =	vsel vm8, $0x787, v1;
	v0 =	vsel vm13, $0x503, v0  }
0x59: {  	v2 =	vsel vm4, $0x203, v2;
	v1 =	vsel vm7, $0x0, v1;
	v0 =	vsel vm11, $0x584, v0  }
0x5a: {  	v2 =	vsel vm3, $0x284, v2;
	v1 =	vsel vm6, $0x81, v1;
	v0 =	vsel vm10, $0x605, v0  }
0x5b: {  	v2 =	vsel vm1, $0x305, v2;
	v1 =	vsel vm5, $0x102, v1;
	v0 =	vsel vm9, $0x686, v0  }
0x5c: {  	v60 =	vsel vm2, $0x386, v2;
	v2 =	vsel vm12, $0x600, v63;
	v0 =	vsel vm8, $0x707, v0  }
0x5d: {  	v63 =	vimm.s32 $0x807;
	v1 =	vsel vm4, $0x183, v1;
	v0 =	vsel vm7, $0x780, v0  }
0x5e: {  	v2 =	vsel vm14, $0x681, v2;
	v1 =	vsel vm3, $0x204, v1;
	v0 =	vsel vm6, $0x1, v0  }
0x5f: {  	v2 =	vsel vm15, $0x702, v2;
	v1 =	vsel vm1, $0x285, v1;
	v0 =	vsel vm5, $0x82, v0  }
0x60: {  	v2 =	vsel vm13, $0x783, v2;
	v57 =	vsel vm2, $0x306, v1;
	v0 =	vsel vm4, $0x103, v0  }
0x61: {  	v1 =	vsel vm12, $0x580, v62;
	v2 =	vsel vm11, $0x4, v2;
	v0 =	vsel vm3, $0x184, v0  }
0x62: {  	v1 =	vsel vm14, $0x601, v1;
	v2 =	vsel vm10, $0x85, v2;
	v0 =	vsel vm1, $0x205, v0  }
0x63: {  	v1 =	vsel vm15, $0x682, v1;
	v45 =	vsel vm2, $0x286, v0;
	v0 =	vsel vm12, $0x500, v61  }
0x64: {  	v2 =	vsel vm9, $0x106, v2;
	v1 =	vsel vm13, $0x703, v1;
	v0 =	vsel vm14, $0x581, v0  }
0x65: {  	v2 =	vsel vm8, $0x187, v2;
	v1 =	vsel vm11, $0x784, v1;
	v0 =	vsel vm15, $0x602, v0  }
0x66: {  	v2 =	vsel vm7, $0x200, v2;
	v1 =	vsel vm10, $0x5, v1;
	v0 =	vsel vm13, $0x683, v0  }
0x67: {  	v2 =	vsel vm6, $0x281, v2;
	v1 =	vsel vm9, $0x86, v1;
	v0 =	vsel vm11, $0x704, v0  }
0x68: {  	v2 =	vsel vm5, $0x302, v2;
	v1 =	vsel vm8, $0x107, v1;
	v0 =	vsel vm10, $0x785, v0  }
0x69: {  	v2 =	vsel vm4, $0x383, v2;
	v1 =	vsel vm7, $0x180, v1;
	v0 =	vsel vm9, $0x6, v0  }
0x6a: {  	v2 =	vsel vm3, $0x404, v2;
	v1 =	vsel vm6, $0x201, v1;
	v0 =	vsel vm8, $0x87, v0  }
0x6b: {  	v2 =	vsel vm1, $0x485, v2;
	v1 =	vsel vm5, $0x282, v1;
	v0 =	vsel vm7, $0x100, v0  }
0x6c: {  	v59 =	vsel vm2, $0x506, v2;
	v1 =	vsel vm4, $0x303, v1;
	v0 =	vsel vm6, $0x181, v0  }
0x6d: {  	v2 =	vsel vm12, $0x780, v6;
	v1 =	vsel vm3, $0x384, v1;
	v0 =	vsel vm5, $0x202, v0  }
0x6e: {  	v6 =	vunpack.c.0.s8.s32 v11;
	v1 =	vsel vm1, $0x405, v1;
	v0 =	vsel vm4, $0x283, v0  }
0x6f: {  	v58 =	vsel vm2, $0x486, v1;
	v1 =	vsel vm12, $0x700, v5;
	v0 =	vsel vm3, $0x304, v0  }
0x70: {  	v11 =	vunpack.c.0.s8.s32 v16;
	v1 =	vsel vm14, $0x781, v1;
	v0 =	vsel vm1, $0x385, v0  }
0x71: {  	v1 =	vsel vm15, $0x2, v1;
	v56 =	vsel vm2, $0x406, v0;
	v0 =	vsel vm12, $0x680, v4  }
0x72: {  	v16 =	vimm.s32 $0x987;
	v1 =	vsel vm13, $0x83, v1;
	v0 =	vsel vm14, $0x701, v0  }
0x73: {  	v2 =	vsel vm14, $0x1, v2;
	v1 =	vsel vm11, $0x104, v1;
	v0 =	vsel vm15, $0x782, v0  }
0x74: {  	v2 =	vsel vm15, $0x82, v2;
	v1 =	vsel vm10, $0x185, v1;
	v0 =	vsel vm13, $0x3, v0  }
0x75: {  	v2 =	vsel vm13, $0x103, v2;
	v1 =	vsel vm9, $0x206, v1;
	v0 =	vsel vm11, $0x84, v0  }
0x76: {  	v2 =	vsel vm11, $0x184, v2;
	v1 =	vsel vm8, $0x287, v1;
	v0 =	vsel vm10, $0x105, v0  }
0x77: {  	v2 =	vsel vm10, $0x205, v2;
	v1 =	vsel vm7, $0x300, v1;
	v0 =	vsel vm9, $0x186, v0  }
0x78: {  	v2 =	vsel vm9, $0x286, v2;
	v1 =	vsel vm6, $0x381, v1;
	v0 =	vsel vm8, $0x207, v0  }
0x79: {  	v2 =	vsel vm8, $0x307, v2;
	v1 =	vsel vm5, $0x402, v1;
	v0 =	vsel vm7, $0x280, v0  }
0x7a: {  	v2 =	vsel vm7, $0x380, v2;
	v1 =	vsel vm4, $0x483, v1;
	v0 =	vsel vm6, $0x301, v0  }
0x7b: {  	v2 =	vsel vm6, $0x401, v2;
	v1 =	vsel vm3, $0x504, v1;
	v0 =	vsel vm5, $0x382, v0  }
0x7c: {  	v2 =	vsel vm5, $0x482, v2;
	v1 =	vsel vm1, $0x585, v1;
	v0 =	vsel vm4, $0x403, v0  }
0x7d: {  	v61 =	vsel vm2, $0x606, v1;
	v1 =	vunpack.c.0.s8.s32 v33;
	v0 =	vsel vm3, $0x484, v0  }
0x7e: {  	v5 =	vunpack.c.0.s8.s32 v10;
	v2 =	vsel vm4, $0x503, v2;
	v0 =	vsel vm1, $0x505, v0  }
0x7f: {  	[tilespmem:$0x1FD10] =	vst v1;
	v1 =	vunpack.c.0.s8.s32 v36;
	v42 =	vsel vm2, $0x586, v0;
	v0 =	vsel vm12, $0x800, v9  }
0x80: {  	v10 =	vunpack.c.0.s8.s32 v15;
	v2 =	vsel vm3, $0x584, v2;
	v0 =	vsel vm14, $0x881, v0  }
0x81: {  	v4 =	vunpack.c.0.s8.s32 v8;
	[tilespmem:$0x1FD30] =	vst v1;
	v1 =	vunpack.c.0.s8.s32 v44;
	v0 =	vsel vm15, $0x902, v0  }
0x82: {  	v8 =	vunpack.c.0.s8.s32 v13;
	v13 =	vimm.s32 $0x887;
	v0 =	vsel vm13, $0x983, v0  }
0x83: {  	v2 =	vsel vm1, $0x605, v2;
	[tilespmem:$0x1FD50] =	vst v1;
	v1 =	vsel vm12, $0x900, v13;
	v0 =	vsel vm11, $0xA04, v0  }
0x84: {  	v62 =	vsel vm2, $0x686, v2;
	v1 =	vsel vm14, $0x981, v1;
	v0 =	vsel vm10, $0xA85, v0  }
0x85: {  	v36 =	vimm.s32 $0xA87;
	v1 =	vsel vm15, $0xA02, v1;
	v0 =	vsel vm9, $0xB06, v0  }
0x86: {  	v44 =	vimm.s32 $0xB87;
	v1 =	vsel vm13, $0xA83, v1;
	v0 =	vsel vm8, $0xB87, v0  }
0x87: {  	v9 =	vunpack.c.0.s8.s32 v14;
	v14 =	vimm.s32 $0x907;
	v0 =	vsel vm7, $0xC00, v0  }
0x88: {  	v1 =	vsel vm11, $0xB04, v1;
	v2 =	vsel vm12, $0x980, v14;
	v0 =	vsel vm6, $0xC81, v0  }
0x89: {  	v1 =	vsel vm10, $0xB85, v1;
	v2 =	vsel vm14, $0xA01, v2;
	v0 =	vsel vm5, $0xD02, v0  }
0x8a: {  	v1 =	vsel vm9, $0xC06, v1;
	v2 =	vsel vm15, $0xA82, v2;
	v0 =	vsel vm4, $0xD83, v0  }
0x8b: {  	v1 =	vsel vm8, $0xC87, v1;
	v2 =	vsel vm13, $0xB03, v2;
	v0 =	vsel vm3, $0xE04, v0  }
0x8c: {  	v1 =	vsel vm7, $0xD00, v1;
	v2 =	vsel vm11, $0xB84, v2;
	v0 =	vsel vm1, $0xE85, v0  }
0x8d: {  	v1 =	vsel vm6, $0xD81, v1;
	v33 =	vsel vm2, $0xF06, v0;
	v0 =	vsel vm12, $0x880, v63  }
0x8e: {  	v2 =	vsel vm10, $0xC05, v2;
	v1 =	vsel vm5, $0xE02, v1;
	v0 =	vsel vm14, $0x901, v0  }
0x8f: {  	v2 =	vsel vm9, $0xC86, v2;
	v1 =	vsel vm4, $0xE83, v1;
	v0 =	vsel vm15, $0x982, v0  }
0x90: {  	v2 =	vsel vm8, $0xD07, v2;
	v1 =	vsel vm3, $0xF04, v1;
	v0 =	vsel vm13, $0xA03, v0  }
0x91: {  	v2 =	vsel vm7, $0xD80, v2;
	v1 =	vsel vm1, $0xF85, v1;
	v0 =	vsel vm11, $0xA84, v0  }
0x92: {  	[tilespmem:$0x1FD20] =	vst v35;
	v2 =	vsel vm6, $0xE01, v2;
	v35 =	vsel vm2, $0x806, v1;
	v0 =	vsel vm10, $0xB05, v0  }
0x93: {  	v1 =	vsel vm12, $0xA80, v17;
	v17 =	vimm.s32 $0xD87;
	v0 =	vsel vm9, $0xB86, v0  }
0x94: {  	v2 =	vsel vm5, $0xE82, v2;
	v1 =	vsel vm14, $0xB01, v1;
	v0 =	vsel vm8, $0xC07, v0  }
0x95: {  	v2 =	vsel vm4, $0xF03, v2;
	v1 =	vsel vm15, $0xB82, v1;
	v0 =	vsel vm7, $0xC80, v0  }
0x96: {  	v2 =	vsel vm3, $0xF84, v2;
	v1 =	vsel vm13, $0xC03, v1;
	v0 =	vsel vm6, $0xD01, v0  }
0x97: {  	v15 =	vsel vm1, $0x805, v2;
	v2 =	vsel vm12, $0xB00, v36;
	v0 =	vsel vm5, $0xD82, v0  }
0x98: {  	v1 =	vsel vm11, $0xC84, v1;
	v21 =	vsel vm2, $0x886, v15;
	v0 =	vsel vm4, $0xE03, v0  }
0x99: {  	v2 =	vsel vm14, $0xB81, v2;
	v1 =	vsel vm10, $0xD05, v1;
	v0 =	vsel vm3, $0xE84, v0  }
0x9a: {  	v2 =	vsel vm15, $0xC02, v2;
	v1 =	vsel vm9, $0xD86, v1;
	v0 =	vsel vm1, $0xF05, v0  }
0x9b: {  	v2 =	vsel vm13, $0xC83, v2;
	v34 =	vsel vm2, $0xF86, v0;
	v0 =	vsel vm12, $0xA00, v16  }
0x9c: {  	v1 =	vsel vm8, $0xE07, v1;
	v2 =	vsel vm11, $0xD04, v2;
	v0 =	vsel vm14, $0xA81, v0  }
0x9d: {  	v1 =	vsel vm7, $0xE80, v1;
	v2 =	vsel vm10, $0xD85, v2;
	v0 =	vsel vm15, $0xB02, v0  }
0x9e: {  	v1 =	vsel vm6, $0xF01, v1;
	v2 =	vsel vm9, $0xE06, v2;
	v0 =	vsel vm13, $0xB83, v0  }
0x9f: {  	v1 =	vsel vm5, $0xF82, v1;
	v2 =	vsel vm8, $0xE87, v2;
	v0 =	vsel vm11, $0xC04, v0  }
0xa0: {  	v1 =	vsel vm4, $0x803, v1;
	v2 =	vsel vm7, $0xF00, v2;
	v0 =	vsel vm10, $0xC85, v0  }
0xa1: {  	v1 =	vsel vm3, $0x884, v1;
	v2 =	vsel vm6, $0xF81, v2;
	v0 =	vsel vm9, $0xD06, v0  }
0xa2: {  	v1 =	vsel vm1, $0x905, v1;
	v2 =	vsel vm5, $0x802, v2;
	v0 =	vsel vm8, $0xD87, v0  }
0xa3: {  	v13 =	vsel vm2, $0x986, v1;
	v1 =	vsel vm12, $0xC00, v44;
	v0 =	vsel vm7, $0xE00, v0  }
0xa4: {  	v2 =	vsel vm4, $0x883, v2;
	v1 =	vsel vm14, $0xC81, v1;
	v0 =	vsel vm6, $0xE81, v0  }
0xa5: {  	v2 =	vsel vm3, $0x904, v2;
	v1 =	vsel vm15, $0xD02, v1;
	v0 =	vsel vm5, $0xF02, v0  }
0xa6: {  	v39 =	vsel vm1, $0x985, v2;
	v2 =	vsel vm12, $0xC80, v52;
	v0 =	vsel vm4, $0xF83, v0  }
0xa7: {  	v1 =	vsel vm13, $0xD83, v1;
	v2 =	vsel vm14, $0xD01, v2;
	v0 =	vsel vm3, $0x804, v0  }
0xa8: {  	v1 =	vsel vm11, $0xE04, v1;
	v2 =	vsel vm15, $0xD82, v2;
	v0 =	vsel vm1, $0x885, v0  }
0xa9: {  	v2 =	vsel vm13, $0xE03, v2;
	v36 =	vsel vm2, $0x906, v0;
	v0 =	vsel vm12, $0xB80, v43  }
0xaa: {  	v16 =	vimm.s32 $0xD07;
	v2 =	vsel vm11, $0xE84, v2;
	v0 =	vsel vm14, $0xC01, v0  }
0xab: {  	v1 =	vsel vm10, $0xE85, v1;
	v2 =	vsel vm10, $0xF05, v2;
	v0 =	vsel vm15, $0xC82, v0  }
0xac: {  	v1 =	vsel vm9, $0xF06, v1;
	v2 =	vsel vm9, $0xF86, v2;
	v0 =	vsel vm13, $0xD03, v0  }
0xad: {  	v1 =	vsel vm8, $0xF87, v1;
	v2 =	vsel vm8, $0x807, v2;
	v0 =	vsel vm11, $0xD84, v0  }
0xae: {  	v1 =	vsel vm7, $0x800, v1;
	v2 =	vsel vm7, $0x880, v2;
	v0 =	vsel vm10, $0xE05, v0  }
0xaf: {  	v1 =	vsel vm6, $0x881, v1;
	v2 =	vsel vm6, $0x901, v2;
	v0 =	vsel vm9, $0xE86, v0  }
0xb0: {  	v1 =	vsel vm5, $0x902, v1;
	v2 =	vsel vm5, $0x982, v2;
	v0 =	vsel vm8, $0xF07, v0  }
0xb1: {  	v1 =	vsel vm4, $0x983, v1;
	v2 =	vsel vm4, $0xA03, v2;
	v0 =	vsel vm7, $0xF80, v0  }
0xb2: {  	v1 =	vsel vm3, $0xA04, v1;
	v2 =	vsel vm3, $0xA84, v2;
	v0 =	vsel vm6, $0x801, v0  }
0xb3: {  	[tilespmem:$0x1FD60] =	vst v53;
	v53 =	vsel vm1, $0xB05, v2;
	v2 =	vsel vm12, $0xE00, v17;
	v0 =	vsel vm5, $0x882, v0  }
0xb4: {  	v1 =	vsel vm1, $0xA85, v1;
	v2 =	vsel vm14, $0xE81, v2;
	v0 =	vsel vm4, $0x903, v0  }
0xb5: {  	v23 =	vsel vm2, $0xB06, v1;
	v2 =	vsel vm15, $0xF02, v2;
	v0 =	vsel vm3, $0x984, v0  }
0xb6: {  	s5 =	rddreg [dreg:$0x0];
	v1 =	vsel vm12, $0xD80, v16;
	v2 =	vsel vm13, $0xF83, v2;
	v0 =	vsel vm1, $0xA05, v0  }
0xb7: {  	s2 =	rddreg [dreg:$0x1];
	s3 =	simm.s32 $0x0;
	v2 =	vsel vm11, $0x804, v2;
	v15 =	vsel vm2, $0xA86, v0;
	v0 =	vsel vm2, $0xB86, v53  }
0xb8: {  	s1 =	srdreg.scid;
	[smem:$0x7FF] =	sst s3;
	v1 =	vsel vm14, $0xE01, v1;
	v2 =	vsel vm10, $0x885, v2;
	[tilespmem:$0x1FD70] =	vst v0  }
0xb9: {  	s4 =	sand.u32 $0x1, s1;
	s1 =	rddreg [dreg:$0x2];
	v1 =	vsel vm15, $0xE82, v1;
	v2 =	vsel vm9, $0x906, v2;
	_ =	strace $0x80000047;
	[tilespmem:$0x1FD80] =	vst v3  }
0xba: {  	v1 =	vsel vm13, $0xF03, v1;
	v2 =	vsel vm8, $0x987, v2;
	[tilespmem:$0x1FD90] =	vst v4  }
0xbb: {  	v1 =	vsel vm11, $0xF84, v1;
	v2 =	vsel vm7, $0xA00, v2;
	[tilespmem:$0x1FDA0] =	vst v5  }
0xbc: {  	v1 =	vsel vm10, $0x805, v1;
	v2 =	vsel vm6, $0xA81, v2;
	[tilespmem:$0x1FDB0] =	vst v6  }
0xbd: {  	vm0 =	vcmask $0x1F10;
	v1 =	vsel vm9, $0x886, v1;
	v2 =	vsel vm5, $0xB02, v2;
	[tilespmem:$0x1FDC0] =	vst v7  }
0xbe: {  	v63 =	vimm.s32 $0xC87;
	v1 =	vsel vm8, $0x907, v1;
	v2 =	vsel vm4, $0xB83, v2;
	[tilespmem:$0x1FDD0] =	vst v8  }
0xbf: {  	v14 =	vsel vm2, $0xA06, v39;
	v1 =	vsel vm7, $0x980, v1;
	v2 =	vsel vm3, $0xC04, v2;
	[tilespmem:$0x1FDE0] =	vst v9  }
0xc0: {  	v39 =	vsel vm1, $0xC85, v2;
	v0 =	vsel vm12, $0xD00, v63;
	v63 =	vsel vm0, v4, v3;
	[tilespmem:$0x1FDF0] =	vst v10  }
0xc1: {  	v1 =	vsel vm6, $0xA01, v1;
	v16 =	vsel vm2, $0xD06, v39;
	v39 =	vsel vm0, v8, v7;
	[tilespmem:$0x1FE00] =	vst v63  }
0xc2: {  	v1 =	vsel vm5, $0xA82, v1;
	[tilespmem:$0x1FE20] =	vst v39  }
0xc3: {  	v1 =	vsel vm4, $0xB03, v1;
	[tilespmem:$0x1FE40] =	vst v11  }
0xc4: {  	v1 =	vsel vm3, $0xB84, v1;
	v0 =	vsel vm14, $0xD81, v0;
	[tilespmem:$0x1FE50] =	vst v12  }
0xc5: {  	v1 =	vsel vm1, $0xC05, v1;
	[tilespmem:$0x1FE70] =	vst v21;
	v0 =	vsel vm15, $0xE02, v0  }
0xc6: {  	v18 =	vsel vm2, $0xC86, v1;
	[tilespmem:$0x1FE80] =	vst v36;
	v0 =	vsel vm13, $0xE83, v0  }
0xc7: {  	[tilespmem:$0x1FE90] =	vst v18;
	v0 =	vsel vm11, $0xF04, v0  }
0xc8: {  	v29 =	vlaneseq.u32;
	[tilespmem:$0x1FEA0] =	vst v16;
	v0 =	vsel vm10, $0xF85, v0  }
0xc9: {  	v44 =	vimm.s32 $0xE87;
	v52 =	vimm.s32 $0xF07;
	[tilespmem:$0x1FEB0] =	vst v57;
	v0 =	vsel vm9, $0x806, v0  }
0xca: {  	v43 =	vimm.s32 $0xE07;
	v1 =	vsel vm12, $0xF00, v44;
	[tilespmem:$0x1FEC0] =	vst v46;
	v0 =	vsel vm8, $0x887, v0  }
0xcb: {  	v44 =	vor.u32 $0x10, v29;
	v1 =	vsel vm14, $0xF81, v1;
	[tilespmem:$0x1FED0] =	vst v25;
	v0 =	vsel vm7, $0x900, v0  }
0xcc: {  	v2 =	vsel vm12, $0xF80, v52;
	v1 =	vsel vm15, $0x802, v1;
	[tilespmem:$0x1FEE0] =	vst v24;
	v0 =	vsel vm6, $0x981, v0  }
0xcd: {  	v2 =	vsel vm14, $0x801, v2;
	v1 =	vsel vm13, $0x883, v1;
	[tilespmem:$0x1FEF0] =	vst v60;
	v0 =	vsel vm5, $0xA02, v0  }
0xce: {  	v2 =	vsel vm15, $0x882, v2;
	v1 =	vsel vm11, $0x904, v1;
	[tilespmem:$0x1FF00] =	vst v47;
	v0 =	vsel vm4, $0xA83, v0  }
0xcf: {  	v2 =	vsel vm13, $0x903, v2;
	v1 =	vsel vm10, $0x985, v1;
	[tilespmem:$0x1FF10] =	vst v27;
	v0 =	vsel vm3, $0xB04, v0  }
0xd0: {  	v2 =	vsel vm11, $0x984, v2;
	v1 =	vsel vm9, $0xA06, v1;
	[tilespmem:$0x1FF20] =	vst v33;
	v0 =	vsel vm1, $0xB85, v0  }
0xd1: {  	v2 =	vsel vm10, $0xA05, v2;
	[tilespmem:$0x1FF30] =	vst v34;
	v17 =	vsel vm2, $0xC06, v0;
	v0 =	vsel vm12, $0xE80, v43  }
0xd2: {  	v6 =	vsel vm0, v6, v5;
	[tilespmem:$0x1FF40] =	vst v35;
	v2 =	vsel vm9, $0xA86, v2;
	v0 =	vsel vm14, $0xF01, v0  }
0xd3: {  	[tilespmem:$0x1FF50] =	vst v13;
	v1 =	vsel vm8, $0xA87, v1;
	v2 =	vsel vm8, $0xB07, v2;
	v0 =	vsel vm15, $0xF82, v0  }
0xd4: {  	[tilespmem:$0x1FF60] =	vst v14;
	v22 =	vcombine.low v6, v63;
	v2 =	vsel vm7, $0xB80, v2;
	v0 =	vsel vm13, $0x803, v0  }
0xd5: {  	[tilespmem:$0x1FF70] =	vst v15;
	v63 =	vsel vm0, v12, v11;
	v2 =	vsel vm6, $0xC01, v2;
	v0 =	vsel vm11, $0x884, v0  }
0xd6: {  	[tilespmem:$0x1FF80] =	vst v28;
	v1 =	vsel vm7, $0xB00, v1;
	v2 =	vsel vm5, $0xC82, v2;
	v0 =	vsel vm10, $0x905, v0  }
0xd7: {  	s0 =	stileid.u32;
	s10 =	simm.s32 $0x6400;
	[tilespmem:$0x1FFC0] =	vst v23;
	v1 =	vsel vm6, $0xB81, v1;
	v2 =	vsel vm4, $0xD03, v2;
	v0 =	vsel vm9, $0x986, v0  }
0xd8: {  	s9 =	simm.s32 $0x80;
	s11 =	simm.s32 $0xA400;
	s13 =	simm.s32 $0xE400;
	[tilespmem:$0x1FFF0] =	vst v44;
	v1 =	vsel vm5, $0xC02, v1;
	v2 =	vsel vm3, $0xD84, v2;
	v0 =	vsel vm8, $0xA07, v0  }
0xd9: {  	s12 =	simm.s32 $0x1;
	s14 =	simm.s32 $0xE800;
	s15 =	simm.s32 $0xEC00;
	[tilespmem:$0x1FE10] =	vst v6;
	v1 =	vsel vm4, $0xC83, v1;
	v53 =	vsel vm1, $0xE05, v2;
	v0 =	vsel vm7, $0xA80, v0  }
0xda: {  	s16 =	simm.s32 $0xF000;
	s17 =	simm.s32 $0x2;
	s18 =	simm.s32 $0x4;
	[tilespmem:$0x1FE60] =	vst v63;
	v52 =	vsel vm2, $0xE86, v53;
	v53 =	vsel vm0, v10, v9;
	v0 =	vsel vm6, $0xB01, v0  }
0xdb: {  	s19 =	simm.s32 $0xF400;
	s20 =	simm.s32 $0xF800;
	s6 =	sshll.u32 s0, $0x1;
	[tilespmem:$0x1FF90] =	vst v22;
	v1 =	vsel vm3, $0xD04, v1;
	v20 =	vcombine.low v53, v39;
	v0 =	vsel vm5, $0xB82, v0  }
0xdc: {  	s21 =	simm.s32 $0xFC00;
	s22 =	simm.s32 $0x10000;
	s6 =	sor.u32 s4, s6;
	v1 =	vsel vm1, $0xD85, v1;
	[tilespmem:$0x1FE30] =	vst v53;
	v0 =	vsel vm4, $0xC03, v0  }
0xdd: {  	s23 =	simm.s32 $0x3;
	s8 =	ssub.s32 $0x2, s4;
	s7 =	smul.u32 $0xC80, s6;
	[tilespmem:$0x1FFA0] =	vst v20;
	v43 =	vsel vm2, $0xE06, v1;
	v0 =	vsel vm3, $0xC84, v0  }
0xde: {  	s24 =	simm.s32 $0x0;
	s4 =	sadd.s32 $0xF5BA00, s5;
	s31 =	sshrl.u32 s8, $0x1;
	[tilespmem:$0x1FFB0] =	vst v43;
	v0 =	vsel vm1, $0xD05, v0  }
0xdf: {  	s8 =	ssub.s32 s8, s31;
	s7 =	sadd.s32 s7, s5;
	s5 =	smul.u32 $0xC8, s6;
	[tilespmem:$0x1FFD0] =	vst v17;
	v19 =	vsel vm2, $0xD86, v0  }
0xe0: {  	s6 =	sadd.s32 $0xF42A00, s7;
	s7 =	smax.u32 s8, $0x1;
	s8 =	simm.s32 $0x5;
	[tilespmem:$0x1FFE0] =	vst v19  }
.LBB2_1:
0xe1: {  	[tilespmem:s3], [sflag:$0x5] =	stream.linear.gather [hbm4b:s6+s3], $0x6400, $0x38;
	[tilespmem:$0x10400] =	vst v63  }
0xe2: {  	_ =	swait.ge [sflag:s8], $0x6400  }
0xe3: {  	[sflag:s8] =	ssyncset.done $0x0  }
0xe4: {  	s25 =	simm.s32 $0x0;
	[sflag:s8] =	ssyncadd.s32 $0xFFFF9C00  }
0xe5: {  	[tilespmem:s10], [sflag:$0x1] =	stream.indirect.gather [hbm4b:s4+s9], $0x80, s3, s9, $0xb8;
	[tilespmem:$0x10400] =	vst v63  }
.LBB2_2:
0xe6: {  	s26 =	sshllo.u32 s25, $0x1  }
0xe7: {  	s28 =	sshll.u32 s26, $0x7  }
0xe8: {  	s28 =	sand.u32 $0x3FFFFF80, s28  }
0xe9: {  	[tilespmem:s11], [sflag:$0x2] =	stream.indirect.gather [hbm4b:s4+s9], $0x80, s28, s9, $0xb8;
	[tilespmem:$0x10400] =	vst v63  }
0xea: {  	_ =	swait.ge [sflag:s12], $0x4000  }
0xeb: {  	p0 =	seq.s32 s25, $0x0;
	[sflag:s12] =	ssyncset.done $0x0  }
0xec: {  	s28 =	simm.s32 @!p0 $0x3;
	[sflag:s12] =	ssyncadd.s32 $0xFFFFC000  }
0xed: {  	_ =	swait.ge @!p0 [sflag:s28], $0x400  }
0xee: {  	[sflag:s28] =	ssyncset.done @!p0 $0x0  }
0xef: {  	[sflag:s28] =	ssyncadd.s32 @!p0 $0xFFFFFC00  }
0xf0: {  	_ =	swait.ge @!p0 [sflag:s28], $0x400  }
0xf1: {  	[sflag:s28] =	ssyncset.done @!p0 $0x0  }
0xf2: {  	s29 =	simm.s32 $0x0;
	[sflag:s28] =	ssyncadd.s32 @!p0 $0xFFFFFC00  }
0xf3: {  	v0 =	vor.u32 s29, v29;
	_ =	swait.ge @!p0 [sflag:s28], $0x400  }
0xf4: {  	v3 =	vshll.u32 v0, $0x7;
	[sflag:s28] =	ssyncset.done @!p0 $0x0  }
0xf5: {  	v1 =	vor.u32 v29, v3;
	[sflag:s28] =	ssyncadd.s32 @!p0 $0xFFFFFC00  }
0xf6: {  	v2 =	vor.u32 v48, v3;
	_ =	swait.ge @!p0 [sflag:s28], $0x400  }
0xf7: {  	v6 =	vor.u32 v49, v3;
	v4 =	vld [tilespmem:$0x1FCE0]  }
0xf8: {  	v8 =	vor.u32 v55, v3;
	[sflag:s28] =	ssyncset.done @!p0 $0x0;
	v5 =	vld [tilespmem:$0x1FCF0]  }
0xf9: {  	v9 =	vor.u32 v54, v3;
	v7 =	vld [tilespmem:$0x1FD00];
	[sflag:s28] =	ssyncadd.s32 @!p0 $0xFFFFFC00  }
0xfa: {  	v10 =	vor.u32 v31, v3;
	v1 =	vld.idx.msk [tilespmem:v1+s10+$0x0], $0xffff  }
0xfb: {  	v11 =	vor.u32 v38, v3;
	v2 =	vld.idx.msk [tilespmem:v2+s10+$0x0], $0xffff  }
0xfc: {  	v12 =	vor.u32 v41, v3;
	v6 =	vld.idx.msk [tilespmem:v6+s10+$0x0], $0xffff  }
0xfd: {  	v13 =	vor.u32 v40, v3;
	v8 =	vld.idx.msk [tilespmem:v8+s10+$0x0], $0xffff  }
0xfe: {  	v14 =	vor.u32 v32, v3;
	v9 =	vld.idx.msk [tilespmem:v9+s10+$0x0], $0xffff  }
0xff: {  	v15 =	vor.u32 v37, v3;
	v10 =	vld.idx.msk [tilespmem:v10+s10+$0x0], $0xffff  }
0x100: {  	v11 =	vld.idx.msk [tilespmem:v11+s10+$0x0], $0xffff;
	v4 =	vor.u32 v4, v3  }
0x101: {  	v16 =	vor.u32 v50, v3;
	v12 =	vld.idx.msk [tilespmem:v12+s10+$0x0], $0xffff  }
0x102: {  	v17 =	vor.u32 v51, v3;
	v13 =	vld.idx.msk [tilespmem:v13+s10+$0x0], $0xffff  }
0x103: {  	v0 =	vand.u32 $0x78, v0;
	v14 =	vld.idx.msk [tilespmem:v14+s10+$0x0], $0xffff;
	v5 =	vor.u32 v5, v3  }
0x104: {  	v18 =	vor.u32 v24, v0;
	v15 =	vld.idx.msk [tilespmem:v15+s10+$0x0], $0xffff;
	v7 =	vor.u32 v7, v3  }
0x105: {  	v33 =	vor.u32 v25, v0;
	v4 =	vld.idx.msk [tilespmem:v4+s10+$0x0], $0xffff  }
0x106: {  	v34 =	vor.u32 v26, v0;
	v16 =	vld.idx.msk [tilespmem:v16+s10+$0x0], $0xffff  }
0x107: {  	v35 =	vor.u32 v27, v0;
	v17 =	vld.idx.msk [tilespmem:v17+s10+$0x0], $0xffff  }
0x108: {  	v36 =	vor.u32 v28, v0;
	v5 =	vld.idx.msk [tilespmem:v5+s10+$0x0], $0xffff  }
0x109: {  	v7 =	vld.idx.msk [tilespmem:v7+s10+$0x0], $0xffff;
	[tilespmem:v18+s13+$0x0] =	vst.idx.msk $0xffff, v1;
	v1 =	vor.u32 v46, v0  }
0x10a: {  	[tilespmem:v33+s13+$0x0] =	vst.idx.msk $0xffff, v4;
	v4 =	vor.u32 v47, v0  }
0x10b: {  	[tilespmem:v34+s13+$0x0] =	vst.idx.msk $0xffff, v10;
	v10 =	vor.u32 v45, v0  }
0x10c: {  	[tilespmem:v35+s13+$0x0] =	vst.idx.msk $0xffff, v2;
	v2 =	vor.u32 v57, v0  }
0x10d: {  	[tilespmem:v36+s13+$0x0] =	vst.idx.msk $0xffff, v6;
	v6 =	vor.u32 v60, v0  }
0x10e: {  	v19 =	vld [tilespmem:$0x1FDB0];
	[tilespmem:v1+s13+$0x0] =	vst.idx.msk $0xffff, v16;
	v1 =	vor.u32 v56, v0  }
0x10f: {  	v18 =	vld [tilespmem:$0x1FD80];
	[tilespmem:v4+s13+$0x0] =	vst.idx.msk $0xffff, v17;
	v4 =	vor.u32 v58, v0  }
0x110: {  	[tilespmem:v10+s13+$0x0] =	vst.idx.msk $0xffff, v5;
	v5 =	vor.u32 v59, v0  }
0x111: {  	v63 =	vmov v20;
	v20 =	vld [tilespmem:$0x1FD30];
	[tilespmem:v2+s13+$0x0] =	vst.idx.msk $0xffff, v7;
	v2 =	vor.u32 v42, v0  }
0x112: {  	v21 =	vld [tilespmem:$0x1FD60];
	[tilespmem:v6+s13+$0x0] =	vst.idx.msk $0xffff, v14;
	v6 =	vor.u32 v61, v0  }
0x113: {  	v53 =	vmov v22;
	v22 =	vld [tilespmem:$0x1FD50];
	[tilespmem:v1+s13+$0x0] =	vst.idx.msk $0xffff, v15;
	v1 =	vor.u32 v62, v0  }
0x114: {  	v43 =	vsel vm0, v18, v19;
	v18 =	vld [tilespmem:$0x1FD10];
	[tilespmem:v4+s13+$0x0] =	vst.idx.msk $0xffff, v11  }
0x115: {  	v19 =	vld [tilespmem:$0x1FD20];
	[tilespmem:v5+s13+$0x0] =	vst.idx.msk $0xffff, v13  }
0x116: {  	v10 =	vld [tilespmem:$0x1FE40];
	[tilespmem:v2+s13+$0x0] =	vst.idx.msk $0xffff, v12  }
0x117: {  	v7 =	vld [tilespmem:$0x1FE50];
	[tilespmem:v6+s13+$0x0] =	vst.idx.msk $0xffff, v9  }
0x118: {  	[tilespmem:v1+s13+$0x0] =	vst.idx.msk $0xffff, v8;
	v1 =	vld [tilespmem:$0x1FDD0]  }
0x119: {  	v8 =	vld [tilespmem:$0x1FDE0];
	_ =	sdelay $0x1  }
0x11a: {  	v35 =	vsel vm0, v20, v21;
	v16 =	vsel vm0, v21, v22;
	v21 =	vld [tilespmem:$0x1FD40]  }
0x11b: {  	v14 =	vld [tilespmem:$0x1FE00];
	v10 =	vsel vm0, v10, v19;
	v7 =	vsel vm0, v18, v7  }
0x11c: {  	v39 =	vsel vm0, v19, v18;
	v15 =	vld [tilespmem:$0x1FE10];
	v18 =	vcombine.low v7, v10  }
0x11d: {  	v13 =	vsel vm0, v8, v1;
	v1 =	vld [tilespmem:$0x1FDC0]  }
0x11e: {  	v4 =	vor.u32 v18, v3;
	v8 =	vld [tilespmem:$0x1FDF0];
	_ =	sdelay $0x2  }
0x11f: {  	v10 =	vcombine.low v10, v7;
	v7 =	vsel vm0, v22, v21;
	v14 =	vcombine.low v14, v15  }
0x120: {  	v12 =	vld [tilespmem:$0x1FE60];
	v9 =	vcombine.low v35, v7  }
0x121: {  	[tilespmem:$0x1FC70] =	vst v14;
	v5 =	vor.u32 v14, v3;
	v14 =	vsel vm0, v1, v8;
	v1 =	vld.idx.msk [tilespmem:v4+s10+$0x0], $0xffff  }
0x122: {  	v17 =	vsel vm0, v21, v20;
	v2 =	vor.u32 v63, v3;
	v4 =	vld [tilespmem:$0x1FD90]  }
0x123: {  	v11 =	vcombine.low v16, v17;
	[tilespmem:$0x1FCA0] =	vst v9;
	v8 =	vor.u32 v9, v3;
	v9 =	vld [tilespmem:$0x1FDA0]  }
0x124: {  	v33 =	vld [tilespmem:$0x1FF20]  }
0x125: {  	v34 =	vld [tilespmem:$0x1FF30];
	[tilespmem:$0x1FC80] =	vst v11;
	v6 =	vor.u32 v11, v3  }
0x126: {  	v17 =	vcombine.low v17, v16;
	v35 =	vld [tilespmem:$0x1FF40];
	[tilespmem:$0x1FC60] =	vst v18;
	v11 =	vcombine.low v39, v12  }
0x127: {  	[tilespmem:$0x1FC90] =	vst v10;
	v7 =	vor.u32 v10, v3;
	v10 =	vld.idx.msk [tilespmem:v2+s10+$0x0], $0xffff;
	v16 =	vcombine.low v12, v39  }
0x128: {  	v12 =	vld [tilespmem:$0x1FE30];
	[tilespmem:$0x1FCB0] =	vst v11;
	v11 =	vor.u32 v11, v3;
	v18 =	vcombine.low v13, v14;
	v15 =	vsel vm0, v9, v4  }
0x129: {  	v19 =	vor.u32 v44, v3;
	v4 =	vld.idx.msk [tilespmem:v5+s10+$0x0], $0xffff;
	v2 =	vcombine.low v15, v43  }
0x12a: {  	[tilespmem:$0x1FCC0] =	vst v18;
	v9 =	vld.idx.msk [tilespmem:v6+s10+$0x0], $0xffff  }
0x12b: {  	v5 =	vor.u32 v53, v3;
	v6 =	vor.u32 v18, v3;
	[tilespmem:$0x1FCD0] =	vst v2;
	v18 =	vor.u32 v2, v3;
	v2 =	vld [tilespmem:$0x1FE20]  }
0x12c: {  	v7 =	vld.idx.msk [tilespmem:v7+s10+$0x0], $0xffff  }
0x12d: {  	v11 =	vld.idx.msk [tilespmem:v11+s10+$0x0], $0xffff  }
0x12e: {  	v39 =	vcombine.low v14, v13;
	v13 =	vld.idx.msk [tilespmem:v19+s10+$0x0], $0xffff  }
0x12f: {  	v36 =	vmov v44;
	v30 =	vmov v16;
	v8 =	vld.idx.msk [tilespmem:v8+s10+$0x0], $0xffff;
	v53 =	vmov v17  }
0x130: {  	v17 =	vor.u32 v17, v3;
	v43 =	vcombine.low v43, v15;
	v63 =	vcombine.low v2, v12;
	v12 =	vld.idx.msk [tilespmem:v5+s10+$0x0], $0xffff  }
0x131: {  	v15 =	vor.u32 v16, v3;
	v16 =	vor.u32 v39, v3;
	v2 =	vor.u32 v34, v0;
	v5 =	vld.idx.msk [tilespmem:v6+s10+$0x0], $0xffff  }
0x132: {  	s29 =	simm.s32 $0x10;
	s28 =	sshll.u32 s25, $0x1;
	v6 =	vld.idx.msk [tilespmem:v18+s10+$0x0], $0xffff;
	v18 =	vor.u32 v43, v3;
	v14 =	vor.u32 v63, v3;
	v3 =	vor.u32 v33, v0  }
.LBB2_3:
0x133: {  	_ =	sdelay $0x3  }
0x134: {  	v17 =	vld.idx.msk [tilespmem:v17+s10+$0x0], $0xffff  }
0x135: {  	v15 =	vld.idx.msk [tilespmem:v15+s10+$0x0], $0xffff  }
0x136: {  	v14 =	vld.idx.msk [tilespmem:v14+s10+$0x0], $0xffff  }
0x137: {  	v20 =	vld [tilespmem:$0x1FE70]  }
0x138: {  	v16 =	vld.idx.msk [tilespmem:v16+s10+$0x0], $0xffff  }
0x139: {  	v21 =	vld [tilespmem:$0x1FE80]  }
0x13a: {  	v18 =	vld.idx.msk [tilespmem:v18+s10+$0x0], $0xffff  }
0x13b: {  	v22 =	vld [tilespmem:$0x1FF50]  }
0x13c: {  	[tilespmem:v3+s13+$0x0] =	vst.idx.msk $0xffff, v13;
	v3 =	vld [tilespmem:$0x1FF60]  }
0x13d: {  	v19 =	vor.u32 v35, v0  }
0x13e: {  	v20 =	vor.u32 v20, v0  }
0x13f: {  	v21 =	vor.u32 v21, v0  }
0x140: {  	v22 =	vor.u32 v22, v0;
	[tilespmem:v2+s13+$0x0] =	vst.idx.msk $0xffff, v12;
	v2 =	vld [tilespmem:$0x1FF70]  }
0x141: {  	v3 =	vor.u32 v3, v0  }
0x142: {  	[tilespmem:v19+s13+$0x0] =	vst.idx.msk $0xffff, v10  }
0x143: {  	[tilespmem:v20+s13+$0x0] =	vst.idx.msk $0xffff, v11  }
0x144: {  	v11 =	vld [tilespmem:$0x1FD70];
	[tilespmem:v21+s13+$0x0] =	vst.idx.msk $0xffff, v9  }
0x145: {  	v2 =	vor.u32 v2, v0;
	v9 =	vld [tilespmem:$0x1FFD0];
	[tilespmem:v22+s13+$0x0] =	vst.idx.msk $0xffff, v18  }
0x146: {  	[tilespmem:v3+s13+$0x0] =	vst.idx.msk $0xffff, v16;
	v3 =	vld [tilespmem:$0x1FEA0];
	_ =	sdelay $0x1  }
0x147: {  	v12 =	vld [tilespmem:$0x1FE90];
	v10 =	vor.u32 v23, v0  }
0x148: {  	v11 =	vor.u32 v11, v0  }
0x149: {  	[tilespmem:v2+s13+$0x0] =	vst.idx.msk $0xffff, v7;
	v2 =	vld [tilespmem:$0x1FFE0];
	v9 =	vor.u32 v9, v0  }
0x14a: {  	v13 =	vor.u32 v3, v0;
	v3 =	vld [tilespmem:$0x1FFB0];
	_ =	sdelay $0x1  }
0x14b: {  	v12 =	vor.u32 v12, v0;
	[tilespmem:v10+s13+$0x0] =	vst.idx.msk $0xffff, v8  }
0x14c: {  	[tilespmem:v11+s13+$0x0] =	vst.idx.msk $0xffff, v4  }
0x14d: {  	s30 =	smov.u32 s29;
	v2 =	vor.u32 v2, v0;
	[tilespmem:v9+s13+$0x0] =	vst.idx.msk $0xffff, v14;
	v9 =	vld [tilespmem:$0x1FCE0]  }
0x14e: {  	v8 =	vor.u32 s30, v29;
	v7 =	vor.u32 v3, v0  }
0x14f: {  	v4 =	vor.u32 v52, v0;
	v3 =	vshll.u32 v8, $0x7  }
0x150: {  	[tilespmem:v12+s13+$0x0] =	vst.idx.msk $0xffff, v15;
	v0 =	vand.u32 $0x78, v8;
	v8 =	vor.u32 v29, v3  }
0x151: {  	[tilespmem:v13+s13+$0x0] =	vst.idx.msk $0xffff, v17;
	v10 =	vor.u32 v48, v3  }
0x152: {  	[tilespmem:v2+s13+$0x0] =	vst.idx.msk $0xffff, v6;
	v9 =	vor.u32 v9, v3  }
0x153: {  	v13 =	vld [tilespmem:$0x1FCF0];
	v11 =	vor.u32 v49, v3;
	[tilespmem:v7+s13+$0x0] =	vst.idx.msk $0xffff, v5  }
0x154: {  	v2 =	vld [tilespmem:$0x1FD00];
	v17 =	vor.u32 v55, v3;
	[tilespmem:v4+s13+$0x0] =	vst.idx.msk $0xffff, v1  }
0x155: {  	v15 =	vor.u32 v54, v3;
	v1 =	vld.idx.msk [tilespmem:v8+s10+$0x0], $0xffff  }
0x156: {  	v18 =	vor.u32 v38, v3;
	v10 =	vld.idx.msk [tilespmem:v10+s10+$0x0], $0xffff  }
0x157: {  	v6 =	vor.u32 v32, v3;
	v9 =	vld.idx.msk [tilespmem:v9+s10+$0x0], $0xffff  }
0x158: {  	v14 =	vor.u32 v37, v3;
	v11 =	vld.idx.msk [tilespmem:v11+s10+$0x0], $0xffff  }
0x159: {  	v16 =	vor.u32 v50, v3;
	v17 =	vld.idx.msk [tilespmem:v17+s10+$0x0], $0xffff  }
0x15a: {  	v12 =	vor.u32 v51, v3;
	v15 =	vld.idx.msk [tilespmem:v15+s10+$0x0], $0xffff  }
0x15b: {  	v13 =	vor.u32 v13, v3;
	v18 =	vld.idx.msk [tilespmem:v18+s10+$0x0], $0xffff  }
0x15c: {  	v4 =	vor.u32 v31, v3;
	v6 =	vld.idx.msk [tilespmem:v6+s10+$0x0], $0xffff  }
0x15d: {  	v7 =	vor.u32 v41, v3;
	v14 =	vld.idx.msk [tilespmem:v14+s10+$0x0], $0xffff  }
0x15e: {  	v5 =	vor.u32 v40, v3;
	v16 =	vld.idx.msk [tilespmem:v16+s10+$0x0], $0xffff  }
0x15f: {  	v19 =	vor.u32 v24, v0;
	v8 =	vor.u32 v2, v3;
	v12 =	vld.idx.msk [tilespmem:v12+s10+$0x0], $0xffff  }
0x160: {  	v20 =	vor.u32 v25, v0;
	v13 =	vld.idx.msk [tilespmem:v13+s10+$0x0], $0xffff  }
0x161: {  	v21 =	vor.u32 v26, v0;
	v4 =	vld.idx.msk [tilespmem:v4+s10+$0x0], $0xffff  }
0x162: {  	v22 =	vor.u32 v27, v0;
	v7 =	vld.idx.msk [tilespmem:v7+s10+$0x0], $0xffff  }
0x163: {  	v44 =	vmov v23;
	v23 =	vor.u32 v28, v0;
	v5 =	vld.idx.msk [tilespmem:v5+s10+$0x0], $0xffff  }
0x164: {  	v8 =	vld.idx.msk [tilespmem:v8+s10+$0x0], $0xffff;
	[tilespmem:v19+s13+$0x0] =	vst.idx.msk $0xffff, v1;
	v1 =	vor.u32 v46, v0  }
0x165: {  	[tilespmem:v20+s13+$0x0] =	vst.idx.msk $0xffff, v9;
	v9 =	vor.u32 v47, v0  }
0x166: {  	[tilespmem:v21+s13+$0x0] =	vst.idx.msk $0xffff, v4;
	v4 =	vor.u32 v45, v0  }
0x167: {  	[tilespmem:v22+s13+$0x0] =	vst.idx.msk $0xffff, v10;
	v10 =	vor.u32 v57, v0  }
0x168: {  	[tilespmem:v23+s13+$0x0] =	vst.idx.msk $0xffff, v11;
	v11 =	vor.u32 v60, v0  }
0x169: {  	[tilespmem:v1+s13+$0x0] =	vst.idx.msk $0xffff, v16;
	v1 =	vor.u32 v56, v0  }
0x16a: {  	[tilespmem:v9+s13+$0x0] =	vst.idx.msk $0xffff, v12;
	v9 =	vor.u32 v58, v0  }
0x16b: {  	[tilespmem:v4+s13+$0x0] =	vst.idx.msk $0xffff, v13;
	v4 =	vor.u32 v59, v0  }
0x16c: {  	[tilespmem:v10+s13+$0x0] =	vst.idx.msk $0xffff, v8;
	v8 =	vor.u32 v42, v0  }
0x16d: {  	[tilespmem:v11+s13+$0x0] =	vst.idx.msk $0xffff, v6;
	v6 =	vor.u32 v61, v0  }
0x16e: {  	[tilespmem:v1+s13+$0x0] =	vst.idx.msk $0xffff, v14;
	v1 =	vor.u32 v62, v0  }
0x16f: {  	[tilespmem:v9+s13+$0x0] =	vst.idx.msk $0xffff, v18  }
0x170: {  	[tilespmem:v4+s13+$0x0] =	vst.idx.msk $0xffff, v5  }
0x171: {  	[tilespmem:v8+s13+$0x0] =	vst.idx.msk $0xffff, v7  }
0x172: {  	v9 =	vld [tilespmem:$0x1FC60];
	[tilespmem:v6+s13+$0x0] =	vst.idx.msk $0xffff, v15  }
0x173: {  	[tilespmem:v1+s13+$0x0] =	vst.idx.msk $0xffff, v17;
	v1 =	vld [tilespmem:$0x1FC90];
	_ =	sdelay $0x4  }
0x174: {  	v9 =	vor.u32 v9, v3;
	v7 =	vor.u32 v1, v3;
	v1 =	vld [tilespmem:$0x1FCA0];
	_ =	sdelay $0x2  }
0x175: {  	v5 =	vld [tilespmem:$0x1FFA0]  }
0x176: {  	v6 =	vld [tilespmem:$0x1FC80]  }
0x177: {  	v8 =	vor.u32 v1, v3;
	v1 =	vld.idx.msk [tilespmem:v9+s10+$0x0], $0xffff  }
0x178: {  	v9 =	vld [tilespmem:$0x1FCB0];
	_ =	sdelay $0x1  }
0x179: {  	v5 =	vor.u32 v5, v3;
	_ =	sdelay $0x1  }
0x17a: {  	v4 =	vld [tilespmem:$0x1FC70]  }
0x17b: {  	v6 =	vor.u32 v6, v3;
	v11 =	vor.u32 v9, v3;
	v9 =	vld [tilespmem:$0x1FF90];
	_ =	sdelay $0x1  }
0x17c: {  	v10 =	vld.idx.msk [tilespmem:v5+s10+$0x0], $0xffff  }
0x17d: {  	v5 =	vld [tilespmem:$0x1FCC0]  }
0x17e: {  	v13 =	vor.u32 v36, v3  }
0x17f: {  	v4 =	vor.u32 v4, v3;
	v12 =	vor.u32 v9, v3;
	v9 =	vld.idx.msk [tilespmem:v6+s10+$0x0], $0xffff  }
0x180: {  	v6 =	vld [tilespmem:$0x1FCD0];
	_ =	sdelay $0x1  }
0x181: {  	v5 =	vor.u32 v5, v3  }
0x182: {  	v13 =	vld.idx.msk [tilespmem:v13+s10+$0x0], $0xffff  }
0x183: {  	v4 =	vld.idx.msk [tilespmem:v4+s10+$0x0], $0xffff  }
0x184: {  	p1 =	sne.s32 s29, $0x70;
	v7 =	vld.idx.msk [tilespmem:v7+s10+$0x0], $0xffff;
	v6 =	vor.u32 v6, v3  }
.Ltmp0:
0x185: {  	v8 =	vld.idx.msk [tilespmem:v8+s10+$0x0], $0xffff;
	(pc) =	sbr.rel @p1 .LBB2_3-.Ltmp0, $4  }
0x186: {  	v5 =	vld.idx.msk [tilespmem:v5+s10+$0x0], $0xffff  }
0x187: {  	v2 =	vor.u32 v34, v0;
	v23 =	vmov v44;
	v11 =	vld.idx.msk [tilespmem:v11+s10+$0x0], $0xffff  }
0x188: {  	v16 =	vor.u32 v39, v3;
	v14 =	vor.u32 v63, v3;
	v18 =	vor.u32 v43, v3;
	v12 =	vld.idx.msk [tilespmem:v12+s10+$0x0], $0xffff  }
0x189: {  	s29 =	sadd.s32 $0x10, s29;
	v15 =	vor.u32 v30, v3;
	v17 =	vor.u32 v53, v3;
	v3 =	vor.u32 v33, v0;
	v6 =	vld.idx.msk [tilespmem:v6+s10+$0x0], $0xffff  }
0x18a: {  	_ =	sdelay $0x3  }
0x18b: {  	v17 =	vld.idx.msk [tilespmem:v17+s10+$0x0], $0xffff  }
0x18c: {  	v15 =	vld.idx.msk [tilespmem:v15+s10+$0x0], $0xffff  }
0x18d: {  	v14 =	vld.idx.msk [tilespmem:v14+s10+$0x0], $0xffff  }
0x18e: {  	v20 =	vld [tilespmem:$0x1FE70]  }
0x18f: {  	v16 =	vld.idx.msk [tilespmem:v16+s10+$0x0], $0xffff  }
0x190: {  	v21 =	vld [tilespmem:$0x1FE80]  }
0x191: {  	v18 =	vld.idx.msk [tilespmem:v18+s10+$0x0], $0xffff  }
0x192: {  	v22 =	vld [tilespmem:$0x1FF50]  }
0x193: {  	[tilespmem:$0x1FC30] =	vst v53;
	v19 =	vor.u32 v35, v0;
	v53 =	vld [tilespmem:$0x1FF60]  }
0x194: {  	[tilespmem:v3+s13+$0x0] =	vst.idx.msk $0xffff, v13;
	v13 =	vld [tilespmem:$0x1FF70];
	v20 =	vor.u32 v20, v0;
	_ =	sdelay $0x1  }
0x195: {  	[tilespmem:$0x1FC40] =	vst v43;
	v21 =	vor.u32 v21, v0  }
0x196: {  	[tilespmem:v2+s13+$0x0] =	vst.idx.msk $0xffff, v12;
	v22 =	vor.u32 v22, v0  }
0x197: {  	v43 =	vld [tilespmem:$0x1FFE0];
	v3 =	vor.u32 v53, v0;
	[tilespmem:v19+s13+$0x0] =	vst.idx.msk $0xffff, v10  }
0x198: {  	v2 =	vor.u32 v13, v0;
	[tilespmem:v20+s13+$0x0] =	vst.idx.msk $0xffff, v11;
	v20 =	vld [tilespmem:$0x1FD70]  }
0x199: {  	[tilespmem:$0x1FC20] =	vst v39;
	v19 =	vor.u32 v23, v0;
	v23 =	vld [tilespmem:$0x1FFD0]  }
0x19a: {  	v36 =	vld [tilespmem:$0x1FE90];
	[tilespmem:v21+s13+$0x0] =	vst.idx.msk $0xffff, v9  }
0x19b: {  	v39 =	vld [tilespmem:$0x1FEA0];
	[tilespmem:v22+s13+$0x0] =	vst.idx.msk $0xffff, v18  }
0x19c: {  	[tilespmem:v3+s13+$0x0] =	vst.idx.msk $0xffff, v16  }
0x19d: {  	[tilespmem:v2+s13+$0x0] =	vst.idx.msk $0xffff, v7;
	v2 =	vor.u32 v43, v0;
	v43 =	vld [tilespmem:$0x1FFB0];
	v11 =	vor.u32 v20, v0  }
0x19e: {  	v9 =	vor.u32 v23, v0  }
0x19f: {  	v12 =	vor.u32 v36, v0  }
0x1a0: {  	v3 =	vor.u32 v39, v0  }
0x1a1: {  	[tilespmem:v19+s13+$0x0] =	vst.idx.msk $0xffff, v8  }
0x1a2: {  	v44 =	vor.u32 v43, v0;
	[tilespmem:v11+s13+$0x0] =	vst.idx.msk $0xffff, v4  }
0x1a3: {  	v53 =	vor.u32 v52, v0;
	[tilespmem:v9+s13+$0x0] =	vst.idx.msk $0xffff, v14  }
0x1a4: {  	[tilespmem:v12+s13+$0x0] =	vst.idx.msk $0xffff, v15  }
0x1a5: {  	s28 =	sadd.s32 s5, s28;
	[tilespmem:v3+s13+$0x0] =	vst.idx.msk $0xffff, v17  }
0x1a6: {  	s28 =	sshll.u32 s28, $0x7;
	[tilespmem:v2+s13+$0x0] =	vst.idx.msk $0xffff, v6  }
0x1a7: {  	s29 =	sadd.s32 s2, s28;
	s28 =	sand.u32 $0x1FFFFF80, s28;
	[tilespmem:v44+s13+$0x0] =	vst.idx.msk $0xffff, v5  }
0x1a8: {  	s28 =	sadd.s32 s2, s28;
	[tilespmem:v53+s13+$0x0] =	vst.idx.msk $0xffff, v1  }
0x1a9: {  	[hbm4b:s29+s3] =	stream.linear.scatter [tilespmem:s13], [sflag:$0x3], $0x400, $0x38;
	[tilespmem:$0x10400] =	vst v63  }
0x1aa: {  	p1 =	sne.s32 s25, $0x63;
	s30 =	sadd.s32 $0xC8000, s28  }
0x1ab: {  	[hbm4b:s30+s3] =	stream.linear.scatter [tilespmem:s14], [sflag:$0x3], $0x400, $0x38;
	[tilespmem:$0x10400] =	vst v63  }
.Ltmp1:
0x1ac: {  	_ = 	snop;
	(pc) =	sbr.rel @p1 .LBB2_6-.Ltmp1, $4  }
0x1ad: {  	s31 =	sadd.s32 $0x190000, s28  }
0x1ae: {  	[hbm4b:s31+s3] =	stream.linear.scatter [tilespmem:s15], [sflag:$0x3], $0x400, $0x38;
	[tilespmem:$0x10400] =	vst v63  }
0x1af: {  	[tilespmem:$0x1FC50] =	vst v30;
	s28 =	sadd.s32 $0x258000, s28  }
0x1b0: {  	[hbm4b:s28+s3] =	stream.linear.scatter [tilespmem:s16], [sflag:$0x3], $0x400, $0x38;
	[tilespmem:$0x10400] =	vst v63  }
.Ltmp2:
0x1b1: {  	(pc) =	sbr.rel .LBB2_7-.Ltmp2, $4  }
0x1b2: {  	_ = 	snop  }
0x1b3: {  	_ =	swait.ge [sflag:s17], $0x4000  }
0x1b4: {  	[sflag:s17] =	ssyncset.done $0x0  }
0x1b5: {  	v23 =	vld [tilespmem:$0x1FC80];
	[sflag:s17] =	ssyncadd.s32 $0xFFFFC000  }
.LBB2_6:
0x1b6: {  	s28 =	sshll.u32 s25, $0x8  }
0x1b7: {  	s28 =	sand.u32 $0x3FFFFF00, s28  }
.Ltmp3:
0x1b8: {  	s28 =	sadd.s32 $0x100, s28;
	(pc) =	sbr.rel @p0 .LBB2_8-.Ltmp3, $4  }
0x1b9: {  	[tilespmem:s10], [sflag:$0x1] =	stream.indirect.gather [hbm4b:s4+s9], $0x80, s28, s9, $0xb8;
	[tilespmem:$0x10400] =	vst v63  }
0x1ba: {  	_ =	swait.ge [sflag:s17], $0x4000  }
0x1bb: {  	[sflag:s17] =	ssyncset.done $0x0  }
0x1bc: {  	v23 =	vld [tilespmem:$0x1FC80];
	[sflag:s17] =	ssyncadd.s32 $0xFFFFC000  }
.LBB2_7:
0x1bd: {  	_ =	swait.ge [sflag:s18], $0x400  }
0x1be: {  	[sflag:s18] =	ssyncset.done $0x0  }
0x1bf: {  	[sflag:s18] =	ssyncadd.s32 $0xFFFFFC00  }
0x1c0: {  	_ =	swait.ge [sflag:s18], $0x400  }
0x1c1: {  	[sflag:s18] =	ssyncset.done $0x0  }
0x1c2: {  	[sflag:s18] =	ssyncadd.s32 $0xFFFFFC00  }
0x1c3: {  	_ =	swait.ge [sflag:s18], $0x400  }
0x1c4: {  	[sflag:s18] =	ssyncset.done $0x0  }
0x1c5: {  	[sflag:s18] =	ssyncadd.s32 $0xFFFFFC00  }
0x1c6: {  	_ =	swait.ge [sflag:s18], $0x400  }
0x1c7: {  	[sflag:s18] =	ssyncset.done $0x0  }
0x1c8: {  	[sflag:s18] =	ssyncadd.s32 $0xFFFFFC00  }
.LBB2_8:
0x1c9: {  	s28 =	simm.s32 $0x0  }
0x1ca: {  	v0 =	vor.u32 s28, v29  }
0x1cb: {  	v1 =	vshll.u32 v0, $0x7  }
0x1cc: {  	v2 =	vor.u32 v55, v1;
	_ =	sdelay $0x4  }
0x1cd: {  	v4 =	vld.idx.msk [tilespmem:v2+s11+$0x0], $0xffff  }
0x1ce: {  	v2 =	vld [tilespmem:$0x1FD00];
	_ =	sdelay $0x3  }
0x1cf: {  	v5 =	vor.u32 v41, v1  }
0x1d0: {  	v17 =	vor.u32 v2, v1;
	v2 =	vld [tilespmem:$0x1FCE0];
	_ =	sdelay $0x2  }
0x1d1: {  	v3 =	vor.u32 v54, v1  }
0x1d2: {  	v6 =	vor.u32 v40, v1;
	v9 =	vld.idx.msk [tilespmem:v5+s11+$0x0], $0xffff  }
0x1d3: {  	v11 =	vor.u32 v32, v1;
	v5 =	vor.u32 v2, v1;
	v2 =	vld [tilespmem:$0x1FCF0]  }
0x1d4: {  	v10 =	vor.u32 v37, v1  }
0x1d5: {  	v8 =	vor.u32 v38, v1  }
0x1d6: {  	v7 =	vld.idx.msk [tilespmem:v3+s11+$0x0], $0xffff  }
0x1d7: {  	v13 =	vld.idx.msk [tilespmem:v6+s11+$0x0], $0xffff  }
0x1d8: {  	v16 =	vld.idx.msk [tilespmem:v11+s11+$0x0], $0xffff;
	v11 =	vor.u32 v2, v1  }
0x1d9: {  	v15 =	vld.idx.msk [tilespmem:v10+s11+$0x0], $0xffff;
	v10 =	vor.u32 v51, v1  }
0x1da: {  	[tilespmem:$0x1FC10] =	vst v63;
	v0 =	vand.u32 $0x78, v0;
	v39 =	vor.u32 v49, v1;
	v14 =	vld.idx.msk [tilespmem:v8+s11+$0x0], $0xffff;
	v6 =	vor.u32 v29, v1  }
0x1db: {  	s28 =	simm.s32 $0x10;
	v12 =	vor.u32 v31, v1;
	v3 =	vor.u32 v48, v1;
	v8 =	vor.u32 v50, v1;
	v17 =	vld.idx.msk [tilespmem:v17+s11+$0x0], $0xffff  }
.LBB2_9:
0x1dc: {  	_ = 	snop  }
0x1dd: {  	v11 =	vld.idx.msk [tilespmem:v11+s11+$0x0], $0xffff  }
0x1de: {  	v10 =	vld.idx.msk [tilespmem:v10+s11+$0x0], $0xffff  }
0x1df: {  	v6 =	vld.idx.msk [tilespmem:v6+s11+$0x0], $0xffff;
	v18 =	vor.u32 v24, v0  }
0x1e0: {  	v5 =	vld.idx.msk [tilespmem:v5+s11+$0x0], $0xffff;
	v19 =	vor.u32 v25, v0  }
0x1e1: {  	v12 =	vld.idx.msk [tilespmem:v12+s11+$0x0], $0xffff;
	v20 =	vor.u32 v26, v0  }
0x1e2: {  	v3 =	vld.idx.msk [tilespmem:v3+s11+$0x0], $0xffff;
	v21 =	vor.u32 v27, v0  }
0x1e3: {  	v2 =	vld.idx.msk [tilespmem:v39+s11+$0x0], $0xffff;
	v22 =	vor.u32 v28, v0  }
0x1e4: {  	v8 =	vld.idx.msk [tilespmem:v8+s11+$0x0], $0xffff;
	[tilespmem:v18+s19+$0x0] =	vst.idx.msk $0xffff, v6  }
0x1e5: {  	[tilespmem:v19+s19+$0x0] =	vst.idx.msk $0xffff, v5  }
0x1e6: {  	[tilespmem:v20+s19+$0x0] =	vst.idx.msk $0xffff, v12  }
0x1e7: {  	s29 =	smov.u32 s28;
	[tilespmem:v21+s19+$0x0] =	vst.idx.msk $0xffff, v3  }
0x1e8: {  	v6 =	vor.u32 v46, v0;
	v5 =	vor.u32 v47, v0;
	[tilespmem:v22+s19+$0x0] =	vst.idx.msk $0xffff, v2;
	v2 =	vor.u32 s29, v29  }
0x1e9: {  	v3 =	vor.u32 v57, v0;
	v27 =	vshll.u32 v2, $0x7;
	v57 =	vand.u32 $0x78, v2;
	v2 =	vld [tilespmem:$0x1FCE0];
	_ =	sdelay $0x3  }
0x1ea: {  	[tilespmem:v6+s19+$0x0] =	vst.idx.msk $0xffff, v8  }
0x1eb: {  	v12 =	vor.u32 v45, v0;
	[tilespmem:v5+s19+$0x0] =	vst.idx.msk $0xffff, v10;
	v5 =	vor.u32 v2, v27;
	v2 =	vld [tilespmem:$0x1FCF0];
	_ =	sdelay $0x2  }
0x1ec: {  	v22 =	vor.u32 v60, v0  }
0x1ed: {  	v8 =	vor.u32 v56, v0  }
0x1ee: {  	v25 =	vor.u32 v58, v0;
	[tilespmem:v12+s19+$0x0] =	vst.idx.msk $0xffff, v11;
	v11 =	vor.u32 v2, v27;
	v2 =	vld [tilespmem:$0x1FD00];
	_ =	sdelay $0x1  }
0x1ef: {  	v12 =	vor.u32 v59, v0;
	[tilespmem:v3+s19+$0x0] =	vst.idx.msk $0xffff, v17  }
0x1f0: {  	v28 =	vmov v26;
	v26 =	vor.u32 v42, v0;
	[tilespmem:v22+s19+$0x0] =	vst.idx.msk $0xffff, v16  }
0x1f1: {  	v24 =	vor.u32 v61, v0;
	v18 =	vor.u32 v23, v1;
	[tilespmem:v8+s19+$0x0] =	vst.idx.msk $0xffff, v15  }
0x1f2: {  	v23 =	vor.u32 v62, v0;
	[tilespmem:v25+s19+$0x0] =	vst.idx.msk $0xffff, v14;
	v25 =	vor.u32 v2, v27;
	v2 =	vld [tilespmem:$0x1FCD0];
	_ =	sdelay $0x1  }
0x1f3: {  	[tilespmem:v12+s19+$0x0] =	vst.idx.msk $0xffff, v13  }
0x1f4: {  	[tilespmem:v26+s19+$0x0] =	vst.idx.msk $0xffff, v9  }
0x1f5: {  	v21 =	vld [tilespmem:$0x1FCA0];
	[tilespmem:v24+s19+$0x0] =	vst.idx.msk $0xffff, v7  }
0x1f6: {  	[tilespmem:v23+s19+$0x0] =	vst.idx.msk $0xffff, v4;
	v4 =	vor.u32 v2, v1;
	v2 =	vld [tilespmem:$0x1FC30];
	_ =	sdelay $0x3  }
0x1f7: {  	v21 =	vor.u32 v21, v1  }
0x1f8: {  	v9 =	vor.u32 v2, v1;
	v2 =	vld [tilespmem:$0x1FC70];
	_ =	sdelay $0x3  }
0x1f9: {  	v7 =	vld.idx.msk [tilespmem:v21+s11+$0x0], $0xffff  }
0x1fa: {  	v21 =	vor.u32 v2, v1;
	v2 =	vld [tilespmem:$0x1FCB0];
	_ =	sdelay $0x4  }
0x1fb: {  	v24 =	vor.u32 v2, v1;
	v2 =	vld [tilespmem:$0x1FFA0];
	_ =	sdelay $0x4  }
0x1fc: {  	v26 =	vor.u32 v2, v1;
	v2 =	vld [tilespmem:$0x1FFF0];
	_ =	sdelay $0x4  }
0x1fd: {  	v6 =	vor.u32 v29, v27;
	v29 =	vor.u32 v2, v1;
	v2 =	vld [tilespmem:$0x1FF90];
	_ =	sdelay $0x4  }
0x1fe: {  	v30 =	vor.u32 v2, v1;
	v2 =	vld [tilespmem:$0x1FC10];
	_ =	sdelay $0x4  }
0x1ff: {  	v46 =	vmovc v58;
	v58 =	vmov v31;
	v12 =	vor.u32 v31, v27;
	v31 =	vor.u32 v2, v1;
	v2 =	vld [tilespmem:$0x1FC50];
	_ =	sdelay $0x3  }
0x200: {  	v20 =	vld [tilespmem:$0x1FC20]  }
0x201: {  	v36 =	vmovc v42;
	v42 =	vmovc v59;
	v59 =	vmov v48;
	v3 =	vor.u32 v48, v27;
	v48 =	vor.u32 v2, v1;
	v2 =	vld [tilespmem:$0x1FC40]  }
0x202: {  	v19 =	vld [tilespmem:$0x1FCC0];
	_ =	sdelay $0x2  }
0x203: {  	v20 =	vor.u32 v20, v1  }
0x204: {  	v60 =	vmov v49;
	v39 =	vor.u32 v49, v27;
	v49 =	vor.u32 v2, v1;
	v2 =	vld [tilespmem:$0x1FC90]  }
0x205: {  	v19 =	vor.u32 v19, v1  }
0x206: {  	v63 =	vmov v52;
	v52 =	vor.u32 v33, v0;
	v17 =	vor.u32 v41, v27  }
0x207: {  	v33 =	vmovc v41;
	v41 =	vmovc v40;
	v14 =	vor.u32 v40, v27;
	v40 =	vmov v38;
	v23 =	vor.u32 v38, v27;
	v38 =	vld [tilespmem:$0x1FF50]  }
0x208: {  	v20 =	vld.idx.msk [tilespmem:v20+s11+$0x0], $0xffff  }
0x209: {  	v47 =	vmovc v61;
	v61 =	vmov v50;
	v8 =	vor.u32 v50, v27;
	v50 =	vor.u32 v2, v1;
	v2 =	vld [tilespmem:$0x1FC60]  }
0x20a: {  	v19 =	vld.idx.msk [tilespmem:v19+s11+$0x0], $0xffff  }
0x20b: {  	v18 =	vld.idx.msk [tilespmem:v18+s11+$0x0], $0xffff  }
0x20c: {  	v4 =	vld.idx.msk [tilespmem:v4+s11+$0x0], $0xffff  }
0x20d: {  	v9 =	vld.idx.msk [tilespmem:v9+s11+$0x0], $0xffff  }
0x20e: {  	v44 =	vmovc v62;
	v62 =	vmov v51;
	v10 =	vor.u32 v51, v27;
	v51 =	vor.u32 v2, v1;
	v2 =	vld [tilespmem:$0x1FE70]  }
0x20f: {  	v21 =	vld.idx.msk [tilespmem:v21+s11+$0x0], $0xffff  }
0x210: {  	v24 =	vld.idx.msk [tilespmem:v24+s11+$0x0], $0xffff  }
0x211: {  	v16 =	vor.u32 v32, v27;
	v22 =	vor.u32 v55, v27;
	v26 =	vld.idx.msk [tilespmem:v26+s11+$0x0], $0xffff  }
0x212: {  	v15 =	vor.u32 v37, v27;
	v13 =	vor.u32 v54, v27;
	v1 =	vmov v27;
	v27 =	vld.idx.msk [tilespmem:v31+s11+$0x0], $0xffff  }
0x213: {  	v31 =	vor.u32 v34, v0;
	v34 =	vmov v54;
	v54 =	vor.u32 v2, v0;
	v2 =	vld [tilespmem:$0x1FE80]  }
0x214: {  	v29 =	vld.idx.msk [tilespmem:v29+s11+$0x0], $0xffff  }
0x215: {  	v30 =	vld.idx.msk [tilespmem:v30+s11+$0x0], $0xffff  }
0x216: {  	v53 =	vor.u32 v35, v0;
	v48 =	vld.idx.msk [tilespmem:v48+s11+$0x0], $0xffff  }
0x217: {  	v49 =	vld.idx.msk [tilespmem:v49+s11+$0x0], $0xffff  }
0x218: {  	v35 =	vmov v55;
	v50 =	vld.idx.msk [tilespmem:v50+s11+$0x0], $0xffff;
	v55 =	vor.u32 v2, v0  }
0x219: {  	v51 =	vld.idx.msk [tilespmem:v51+s11+$0x0], $0xffff;
	[tilespmem:v52+s19+$0x0] =	vst.idx.msk $0xffff, v29;
	v2 =	vmov v56;
	v56 =	vor.u32 v38, v0  }
0x21a: {  	[tilespmem:v31+s19+$0x0] =	vst.idx.msk $0xffff, v30  }
0x21b: {  	[tilespmem:v53+s19+$0x0] =	vst.idx.msk $0xffff, v26  }
0x21c: {  	[tilespmem:v54+s19+$0x0] =	vst.idx.msk $0xffff, v24  }
0x21d: {  	v29 =	vld [tilespmem:$0x1FF60];
	[tilespmem:v55+s19+$0x0] =	vst.idx.msk $0xffff, v18  }
0x21e: {  	[tilespmem:v56+s19+$0x0] =	vst.idx.msk $0xffff, v49;
	v56 =	vmov v2;
	v2 =	vld [tilespmem:$0x1FE90];
	_ =	sdelay $0x2  }
0x21f: {  	v30 =	vld [tilespmem:$0x1FF70]  }
0x220: {  	v26 =	vld [tilespmem:$0x1FFC0]  }
0x221: {  	v29 =	vor.u32 v29, v0;
	v31 =	vor.u32 v2, v0;
	v2 =	vld [tilespmem:$0x1FEA0]  }
0x222: {  	v52 =	vmov v63;
	v63 =	vld [tilespmem:$0x1FD70]  }
0x223: {  	v18 =	vld [tilespmem:$0x1FFD0];
	_ =	sdelay $0x1  }
0x224: {  	v30 =	vor.u32 v30, v0  }
0x225: {  	v26 =	vor.u32 v26, v0;
	[tilespmem:v29+s19+$0x0] =	vst.idx.msk $0xffff, v20;
	v20 =	vor.u32 v2, v0;
	v2 =	vld [tilespmem:$0x1FFE0]  }
0x226: {  	v24 =	vor.u32 v63, v0  }
0x227: {  	v18 =	vor.u32 v18, v0  }
0x228: {  	v38 =	vmov v40;
	v40 =	vmov v41;
	v41 =	vmov v33;
	v33 =	vld [tilespmem:$0x1FF20]  }
0x229: {  	v54 =	vmov v34;
	v34 =	vld [tilespmem:$0x1FF30];
	[tilespmem:v30+s19+$0x0] =	vst.idx.msk $0xffff, v50  }
0x22a: {  	v55 =	vmov v35;
	v35 =	vld [tilespmem:$0x1FF40];
	[tilespmem:v26+s19+$0x0] =	vst.idx.msk $0xffff, v7;
	v29 =	vor.u32 v2, v0  }
0x22b: {  	v49 =	vmov v60;
	v60 =	vld [tilespmem:$0x1FEF0];
	v7 =	vor.u32 v43, v0;
	[tilespmem:v24+s19+$0x0] =	vst.idx.msk $0xffff, v21  }
0x22c: {  	v50 =	vmov v61;
	v61 =	vmov v47;
	v47 =	vld [tilespmem:$0x1FF00];
	v21 =	vor.u32 v52, v0;
	[tilespmem:v18+s19+$0x0] =	vst.idx.msk $0xffff, v27  }
0x22d: {  	v26 =	vmov v28;
	v28 =	vld [tilespmem:$0x1FF80];
	[tilespmem:v31+s19+$0x0] =	vst.idx.msk $0xffff, v48  }
0x22e: {  	v24 =	vld [tilespmem:$0x1FEE0];
	[tilespmem:v20+s19+$0x0] =	vst.idx.msk $0xffff, v9  }
0x22f: {  	v27 =	vld [tilespmem:$0x1FF10];
	[tilespmem:v29+s19+$0x0] =	vst.idx.msk $0xffff, v4  }
0x230: {  	v31 =	vmov v58;
	v58 =	vmov v46;
	v46 =	vld [tilespmem:$0x1FEC0];
	[tilespmem:v7+s19+$0x0] =	vst.idx.msk $0xffff, v19  }
0x231: {  	v0 =	vmov v57;
	v57 =	vld [tilespmem:$0x1FEB0];
	[tilespmem:v21+s19+$0x0] =	vst.idx.msk $0xffff, v51  }
0x232: {  	v4 =	vld.idx.msk [tilespmem:v22+s11+$0x0], $0xffff  }
0x233: {  	v7 =	vld.idx.msk [tilespmem:v13+s11+$0x0], $0xffff  }
0x234: {  	v9 =	vld.idx.msk [tilespmem:v17+s11+$0x0], $0xffff  }
0x235: {  	v13 =	vld.idx.msk [tilespmem:v14+s11+$0x0], $0xffff  }
0x236: {  	p0 =	sne.s32 s28, $0x70;
	v14 =	vld.idx.msk [tilespmem:v23+s11+$0x0], $0xffff  }
.Ltmp4:
0x237: {  	v23 =	vld [tilespmem:$0x1FC80];
	(pc) =	sbr.rel @p0 .LBB2_9-.Ltmp4, $4  }
0x238: {  	v15 =	vld.idx.msk [tilespmem:v15+s11+$0x0], $0xffff  }
0x239: {  	v16 =	vld.idx.msk [tilespmem:v16+s11+$0x0], $0xffff  }
0x23a: {  	v48 =	vmov v59;
	v17 =	vld.idx.msk [tilespmem:v25+s11+$0x0], $0xffff  }
0x23b: {  	s28 =	sadd.s32 $0x10, s28;
	v59 =	vmovc v42;
	v42 =	vmovc v36;
	v29 =	vlaneseq.u32;
	v51 =	vmov v62;
	v62 =	vmov v44;
	v25 =	vld [tilespmem:$0x1FED0]  }
0x23c: {  	_ =	sdelay $0x3  }
0x23d: {  	v11 =	vld.idx.msk [tilespmem:v11+s11+$0x0], $0xffff  }
0x23e: {  	v10 =	vld.idx.msk [tilespmem:v10+s11+$0x0], $0xffff  }
0x23f: {  	v6 =	vld.idx.msk [tilespmem:v6+s11+$0x0], $0xffff;
	v18 =	vor.u32 v24, v0  }
0x240: {  	v5 =	vld.idx.msk [tilespmem:v5+s11+$0x0], $0xffff;
	v19 =	vor.u32 v25, v0  }
0x241: {  	v12 =	vld.idx.msk [tilespmem:v12+s11+$0x0], $0xffff;
	v20 =	vor.u32 v26, v0  }
0x242: {  	v3 =	vld.idx.msk [tilespmem:v3+s11+$0x0], $0xffff;
	v21 =	vor.u32 v27, v0  }
0x243: {  	v2 =	vld.idx.msk [tilespmem:v39+s11+$0x0], $0xffff;
	v22 =	vor.u32 v28, v0  }
0x244: {  	v8 =	vld.idx.msk [tilespmem:v8+s11+$0x0], $0xffff;
	v53 =	vor.u32 v46, v0;
	[tilespmem:v18+s19+$0x0] =	vst.idx.msk $0xffff, v6  }
0x245: {  	[tilespmem:v19+s19+$0x0] =	vst.idx.msk $0xffff, v5;
	v5 =	vor.u32 v47, v0  }
0x246: {  	v36 =	vor.u32 v45, v0;
	[tilespmem:v20+s19+$0x0] =	vst.idx.msk $0xffff, v12  }
0x247: {  	v39 =	vor.u32 v57, v0;
	[tilespmem:v21+s19+$0x0] =	vst.idx.msk $0xffff, v3  }
0x248: {  	v44 =	vor.u32 v60, v0;
	[tilespmem:v22+s19+$0x0] =	vst.idx.msk $0xffff, v2  }
0x249: {  	[tilespmem:v53+s19+$0x0] =	vst.idx.msk $0xffff, v8;
	v53 =	vor.u32 v56, v0  }
0x24a: {  	[tilespmem:v5+s19+$0x0] =	vst.idx.msk $0xffff, v10;
	v5 =	vor.u32 v58, v0  }
0x24b: {  	[tilespmem:v36+s19+$0x0] =	vst.idx.msk $0xffff, v11;
	v36 =	vor.u32 v59, v0  }
0x24c: {  	v12 =	vld [tilespmem:$0x1FCA0];
	[tilespmem:v39+s19+$0x0] =	vst.idx.msk $0xffff, v17;
	v39 =	vor.u32 v42, v0  }
0x24d: {  	v22 =	vld [tilespmem:$0x1FE70];
	[tilespmem:v44+s19+$0x0] =	vst.idx.msk $0xffff, v16  }
0x24e: {  	v17 =	vld [tilespmem:$0x1FCD0];
	[tilespmem:v53+s19+$0x0] =	vst.idx.msk $0xffff, v15  }
0x24f: {  	v15 =	vld [tilespmem:$0x1FCC0];
	[tilespmem:v5+s19+$0x0] =	vst.idx.msk $0xffff, v14  }
0x250: {  	v44 =	vor.u32 v61, v0;
	v14 =	vld [tilespmem:$0x1FC20];
	[tilespmem:v36+s19+$0x0] =	vst.idx.msk $0xffff, v13  }
0x251: {  	v53 =	vor.u32 v62, v0;
	[tilespmem:v39+s19+$0x0] =	vst.idx.msk $0xffff, v9;
	v39 =	vld [tilespmem:$0x1FC70]  }
0x252: {  	v5 =	vor.u32 v12, v1;
	v36 =	vld [tilespmem:$0x1FC30]  }
0x253: {  	v16 =	vor.u32 v23, v1;
	v9 =	vld [tilespmem:$0x1FFA0]  }
0x254: {  	v2 =	vor.u32 v17, v1;
	v17 =	vld [tilespmem:$0x1FC50]  }
0x255: {  	[tilespmem:v44+s19+$0x0] =	vst.idx.msk $0xffff, v7;
	v44 =	vld [tilespmem:$0x1FCB0]  }
0x256: {  	[tilespmem:v53+s19+$0x0] =	vst.idx.msk $0xffff, v4;
	v7 =	vor.u32 v39, v1;
	v39 =	vld [tilespmem:$0x1FF90]  }
0x257: {  	v10 =	vor.u32 v15, v1;
	v4 =	vld.idx.msk [tilespmem:v5+s11+$0x0], $0xffff  }
0x258: {  	v8 =	vor.u32 v14, v1;
	v3 =	vld.idx.msk [tilespmem:v16+s11+$0x0], $0xffff  }
0x259: {  	v16 =	vld [tilespmem:$0x1FC10]  }
0x25a: {  	v5 =	vor.u32 v36, v1;
	v36 =	vld [tilespmem:$0x1FC40]  }
0x25b: {  	v2 =	vld.idx.msk [tilespmem:v2+s11+$0x0], $0xffff;
	v53 =	vor.u32 v39, v1  }
0x25c: {  	v30 =	vld.idx.msk [tilespmem:v10+s11+$0x0], $0xffff  }
0x25d: {  	v6 =	vld.idx.msk [tilespmem:v8+s11+$0x0], $0xffff  }
0x25e: {  	v8 =	vor.u32 v44, v1;
	v44 =	vld [tilespmem:$0x1FFF0]  }
0x25f: {  	v14 =	vor.u32 v17, v1;
	v5 =	vld.idx.msk [tilespmem:v5+s11+$0x0], $0xffff  }
0x260: {  	v10 =	vor.u32 v9, v1;
	v11 =	vld.idx.msk [tilespmem:v53+s11+$0x0], $0xffff  }
0x261: {  	v53 =	vld [tilespmem:$0x1FC90]  }
0x262: {  	v13 =	vor.u32 v16, v1;
	v15 =	vor.u32 v36, v1;
	v36 =	vld [tilespmem:$0x1FC60]  }
0x263: {  	v7 =	vld.idx.msk [tilespmem:v7+s11+$0x0], $0xffff;
	v12 =	vor.u32 v44, v1  }
0x264: {  	v14 =	vld.idx.msk [tilespmem:v14+s11+$0x0], $0xffff  }
0x265: {  	v10 =	vld.idx.msk [tilespmem:v10+s11+$0x0], $0xffff  }
0x266: {  	v8 =	vld.idx.msk [tilespmem:v8+s11+$0x0], $0xffff;
	v16 =	vor.u32 v53, v1  }
0x267: {  	v13 =	vld.idx.msk [tilespmem:v13+s11+$0x0], $0xffff;
	v1 =	vor.u32 v36, v1  }
0x268: {  	v12 =	vld.idx.msk [tilespmem:v12+s11+$0x0], $0xffff;
	v53 =	vor.u32 v33, v0  }
0x269: {  	v18 =	vor.u32 v34, v0;
	v15 =	vld.idx.msk [tilespmem:v15+s11+$0x0], $0xffff  }
0x26a: {  	v19 =	vor.u32 v35, v0;
	v36 =	vld [tilespmem:$0x1FE80]  }
0x26b: {  	v16 =	vld.idx.msk [tilespmem:v16+s11+$0x0], $0xffff  }
0x26c: {  	v1 =	vld.idx.msk [tilespmem:v1+s11+$0x0], $0xffff  }
0x26d: {  	[tilespmem:v53+s19+$0x0] =	vst.idx.msk $0xffff, v12;
	v12 =	vld [tilespmem:$0x1FF50]  }
0x26e: {  	[tilespmem:v18+s19+$0x0] =	vst.idx.msk $0xffff, v11;
	v18 =	vld [tilespmem:$0x1FF60]  }
0x26f: {  	[tilespmem:v19+s19+$0x0] =	vst.idx.msk $0xffff, v10;
	v19 =	vld [tilespmem:$0x1FF70]  }
0x270: {  	v20 =	vor.u32 v22, v0  }
0x271: {  	v21 =	vor.u32 v36, v0  }
0x272: {  	v33 =	vor.u32 v12, v0  }
0x273: {  	v34 =	vor.u32 v18, v0  }
0x274: {  	v23 =	vld [tilespmem:$0x1FFC0];
	v35 =	vor.u32 v19, v0  }
0x275: {  	[tilespmem:v20+s19+$0x0] =	vst.idx.msk $0xffff, v8  }
0x276: {  	v20 =	vld [tilespmem:$0x1FFD0];
	[tilespmem:v21+s19+$0x0] =	vst.idx.msk $0xffff, v3  }
0x277: {  	v17 =	vld [tilespmem:$0x1FE90];
	[tilespmem:v33+s19+$0x0] =	vst.idx.msk $0xffff, v15  }
0x278: {  	v33 =	vld [tilespmem:$0x1FEA0];
	[tilespmem:v34+s19+$0x0] =	vst.idx.msk $0xffff, v6  }
0x279: {  	v36 =	vor.u32 v23, v0;
	[tilespmem:v35+s19+$0x0] =	vst.idx.msk $0xffff, v16;
	v35 =	vld [tilespmem:$0x1FFE0]  }
0x27a: {  	v53 =	vor.u32 v63, v0  }
0x27b: {  	v63 =	vor.u32 v20, v0  }
0x27c: {  	v6 =	vor.u32 v17, v0  }
0x27d: {  	v34 =	vor.u32 v33, v0  }
0x27e: {  	[tilespmem:v36+s19+$0x0] =	vst.idx.msk $0xffff, v4;
	v36 =	vor.u32 v35, v0  }
0x27f: {  	[tilespmem:v53+s19+$0x0] =	vst.idx.msk $0xffff, v7;
	v53 =	vor.u32 v43, v0  }
0x280: {  	[tilespmem:v63+s19+$0x0] =	vst.idx.msk $0xffff, v13;
	v63 =	vor.u32 v52, v0  }
0x281: {  	[tilespmem:v6+s19+$0x0] =	vst.idx.msk $0xffff, v14  }
0x282: {  	s26 =	sadd.s32 s5, s26;
	[tilespmem:v34+s19+$0x0] =	vst.idx.msk $0xffff, v5  }
0x283: {  	s26 =	sshll.u32 s26, $0x7;
	[tilespmem:v36+s19+$0x0] =	vst.idx.msk $0xffff, v2  }
0x284: {  	s28 =	sadd.s32 s2, s26;
	s26 =	sand.u32 $0x1FFFFF80, s26;
	[tilespmem:v53+s19+$0x0] =	vst.idx.msk $0xffff, v30  }
0x285: {  	s25 =	sadd.s32 $0x1, s25;
	s26 =	sadd.s32 s2, s26;
	[tilespmem:v63+s19+$0x0] =	vst.idx.msk $0xffff, v1  }
0x286: {  	[hbm4b:s28+s3] =	stream.linear.scatter [tilespmem:s19], [sflag:$0x4], $0x400, $0x38;
	[tilespmem:$0x10400] =	vst v63  }
0x287: {  	p0 =	sne.s32 s25, $0x64;
	s30 =	sadd.s32 $0xC8000, s26  }
0x288: {  	[hbm4b:s30+s3] =	stream.linear.scatter [tilespmem:s20], [sflag:$0x4], $0x400, $0x38;
	[tilespmem:$0x10400] =	vst v63  }
.Ltmp5:
0x289: {  	_ = 	snop;
	(pc) =	sbr.rel @p0 .LBB2_2-.Ltmp5, $4  }
0x28a: {  	s31 =	sadd.s32 $0x190000, s26  }
0x28b: {  	[hbm4b:s31+s3] =	stream.linear.scatter [tilespmem:s21], [sflag:$0x4], $0x400, $0x38;
	[tilespmem:$0x10400] =	vst v63  }
0x28c: {  	s26 =	sadd.s32 $0x258000, s26  }
0x28d: {  	v22 =	vmov v39;
	v20 =	vmov v9;
	[hbm4b:s26+s3] =	stream.linear.scatter [tilespmem:s22], [sflag:$0x4], $0x400, $0x38;
	[tilespmem:$0x10400] =	vst v63  }
0x28e: {  	_ =	swait.ge [sflag:s23], $0x400  }
0x28f: {  	[sflag:s23] =	ssyncset.done $0x0  }
0x290: {  	[sflag:s23] =	ssyncadd.s32 $0xFFFFFC00  }
0x291: {  	_ =	swait.ge [sflag:s23], $0x400  }
0x292: {  	[sflag:s23] =	ssyncset.done $0x0  }
0x293: {  	[sflag:s23] =	ssyncadd.s32 $0xFFFFFC00  }
0x294: {  	_ =	swait.ge [sflag:s23], $0x400  }
0x295: {  	[sflag:s23] =	ssyncset.done $0x0  }
0x296: {  	[sflag:s23] =	ssyncadd.s32 $0xFFFFFC00  }
0x297: {  	_ =	swait.ge [sflag:s23], $0x400  }
0x298: {  	[sflag:s23] =	ssyncset.done $0x0  }
0x299: {  	[sflag:s23] =	ssyncadd.s32 $0xFFFFFC00  }
0x29a: {  	_ =	swait.ge [sflag:s18], $0x400  }
0x29b: {  	[sflag:s18] =	ssyncset.done $0x0  }
0x29c: {  	[sflag:s18] =	ssyncadd.s32 $0xFFFFFC00  }
0x29d: {  	_ =	swait.ge [sflag:s18], $0x400  }
0x29e: {  	[sflag:s18] =	ssyncset.done $0x0  }
0x29f: {  	s24 =	sadd.s32 $0x1, s24;
	[sflag:s18] =	ssyncadd.s32 $0xFFFFFC00  }
0x2a0: {  	p0 =	sne.s32 s24, s7;
	_ =	swait.ge [sflag:s18], $0x400  }
.Ltmp6:
0x2a1: {  	[sflag:s18] =	ssyncset.done $0x0;
	(pc) =	sbr.rel @p0 .LBB2_1-.Ltmp6, $4  }
0x2a2: {  	[sflag:s18] =	ssyncadd.s32 $0xFFFFFC00  }
0x2a3: {  	_ =	swait.ge [sflag:s18], $0x400  }
0x2a4: {  	[sflag:s18] =	ssyncset.done $0x0  }
0x2a5: {  	[sflag:s18] =	ssyncadd.s32 $0xFFFFFC00  }
0x2a6: {  	_ =	sfence.sel $0x180000  }
0x2a7: {  	[bflag:$0x0] =	sbarrier.arrive $0xFFFF  }
0x2a8: {  	p0 =	sne.s32 s0, $0x0;
	_ =	strace $0x90000047  }
0x2a9: {  	s0 =	sadd.s32 @!p0 $0x100000, s1;
	[bflag:$0x2] =	sbarrier.arrive $0xFFFF  }
0x2aa: {  	[sflag:s0] =	ssyncadd.tile.s32 @!p0 $0x1;
	_ =	shalt  }
.Lfunc_end2:
_tile_overlayer_lowered:
.L_overlay_start_2:
0x2ab: {  	(tag) =	ssettag $0x2  }
0x2ac: {  	s0 =	rddreg [dreg:$0x0];
	s2 =	stileid.u32  }
0x2ad: {  	s1 =	rddreg [dreg:$0x1];
	p0 =	sne.s32 s2, $0x0  }
0x2ae: {  	s3 =	rddreg [dreg:$0x2];
	[bflag:$0x3] =	sbarrier.arrive $0xFFFF;
	s2 =	simm.s32 @!p0 $0x1C05  }
0x2af: {  	[timem:s3], [sflag:s2] =	dma.local @!p0 [hbm:s0], s1  }
0x2b0: {  	s0 =	simm.s32 @!p0 $0x5  }
0x2b1: {  	_ =	swait.ge @!p0 [sflag:s0], s1  }
0x2b2: {  	s1 =	ssub.s32 @!p0 $0x0, s1;
	[sflag:s0] =	ssyncset.done @!p0 $0x0  }
0x2b3: {  	[sflag:s0] =	ssyncadd.s32 @!p0 s1  }
0x2b4: {  	[bflag:$0x3] =	sbarrier.arrive $0xFFFF  }
0x2b5: {  	_ =	shalt  }

</sc_bundles>
